<compile_context>
chip_gen: v7x
topology: tpu7x:2x2x1
jax: 0.10.2.dev20260603
libtpu: 0.0.44.dev20260713+nightly
codegen_flags: <defaults>
</compile_context>

<pallas_src>
import functools

import jax
import jax.numpy as jnp
from jax import lax
from jax.experimental import pallas as pl
from jax.experimental.pallas import tpu as pltpu
from jax.experimental.pallas import tpu_sc as plsc

B = 4096
D = 768
AD = 128
H = 512
NC = 5
E = 4
MH = 128
GH = 128

BLK = 1024
PAD = 128
NEG = -1e30

def _sc_gather(ci, label_flat):
    info = plsc.get_sparse_core_info()
    ncs, nss, nl = info.num_cores, info.num_subcores, info.num_lanes
    nw = ncs * nss
    bpw = B // nw

    mesh = plsc.VectorSubcoreMesh(core_axis_name="c", subcore_axis_name="s")

    @functools.partial(
        pl.kernel, mesh=mesh,
        out_type=jax.ShapeDtypeStruct((B, D), jnp.float32),
        scratch_types=[
            pltpu.VMEM((bpw,), jnp.int32),
            pltpu.VMEM((bpw, D), jnp.float32),
            pltpu.SemaphoreType.DMA,
        ],
    )
    def gather_k(ci_hbm, label_hbm, out_hbm, idx_v, rows_v, sem):
        wid = lax.axis_index("s") * ncs + lax.axis_index("c")
        base = wid * bpw
        pltpu.sync_copy(ci_hbm.at[pl.ds(base, bpw)], idx_v)
        for i in range(bpw // nl):
            off = i * nl
            rid = lax.iota(jnp.int32, nl) + (base + off)
            idx_v[pl.ds(off, nl)] = idx_v[pl.ds(off, nl)] * B + rid
        pltpu.async_copy(label_hbm.at[idx_v], rows_v, sem).wait()
        pltpu.sync_copy(rows_v, out_hbm.at[pl.ds(base, bpw)])

    return gather_k(ci, label_flat)


def _dot(a, b):
    return jnp.dot(a, b, preferred_element_type=jnp.float32)


def _bdot(a, b16):
    return jnp.dot(a.astype(jnp.bfloat16), b16,
                   preferred_element_type=jnp.float32)


def _fused_body(cif_ref, gath_ref, aud_ref, txt_ref, noise_ref,
                W_ap_ref, b_ap_ref, Wg1_ref, bg1_ref, Wg2_ref, bg2_ref,
                Wv_ref, bv_ref, Wo_ref, bo_ref, Wmg_ref, bmg_ref,
                eW1_ref, eb1_ref, eW2_ref, eb2_ref, ln_g_ref, ln_b_ref,
                W1_ref, b1_ref, W2_ref, b2_ref, Wfc_ref, bfc_ref,
                out_ref):
    cif = cif_ref[...]
    lane = jax.lax.broadcasted_iota(jnp.int32, (BLK, PAD), 1)

    txt = txt_ref[:, 0, :]
    x_aud = _dot(aud_ref[:, 0, :], W_ap_ref[...]) + b_ap_ref[...]

    adjusted = jnp.where(cif == 5.0, 0.0, 1.0) * gath_ref[...]

    g1 = (_bdot(adjusted, Wg1_ref[0:D, :])
          + _bdot(x_aud, Wg1_ref[D:2 * D, :])
          + _bdot(txt, Wg1_ref[2 * D:, :]))
    g1 = jnp.maximum(g1 + bg1_ref[...], 0.0)
    glog = _dot(g1, Wg2_ref[...]) + bg2_ref[...]
    glm = jnp.where(lane < 3, glog, NEG)
    gmax = jnp.max(glm, axis=1, keepdims=True)
    ge = jnp.exp(glm - gmax)
    gw = ge / jnp.sum(ge, axis=1, keepdims=True)
    x_aud_s = gw[:, 1:2] * x_aud
    x_text = gw[:, 2:3] * txt

    y_att = _bdot(_bdot(x_aud_s, Wv_ref[...]) + bv_ref[...], Wo_ref[...]) + bo_ref[...]

    nm = _dot(y_att, Wmg_ref[...]) + bmg_ref[...] + noise_ref[...]
    nm = jnp.where(lane < E, nm, NEG)
    n0 = nm[:, 0:1]
    m1 = jnp.max(nm, axis=1, keepdims=True)
    am = jnp.min(jnp.where(nm == m1, lane, PAD), axis=1, keepdims=True)
    m2 = jnp.max(jnp.where(lane == am, NEG, nm), axis=1, keepdims=True)
    cnt = jnp.sum(jnp.where(nm > n0, 1.0, 0.0), axis=1, keepdims=True)
    s0 = jnp.where(cnt <= 1.5, jnp.exp(n0 - m1) / (1.0 + jnp.exp(m2 - m1)), 0.0)

    y16 = y_att.astype(jnp.bfloat16)
    acc = eb2_ref[...]
    for e in range(E):
        h_e = jnp.maximum(
            jnp.dot(y16, eW1_ref[e], preferred_element_type=jnp.float32)
            + eb1_ref[e:e + 1, :], 0.0)
        acc = acc + jnp.dot(h_e.astype(jnp.bfloat16), eW2_ref[e],
                            preferred_element_type=jnp.float32)
    y = s0 * acc

    ln_g = ln_g_ref[...]
    ln_b = ln_b_ref[...]
    ones_col = jnp.ones((D, 1), jnp.bfloat16)
    inv_d = 1.0 / D

    def ln(v):
        v16 = v.astype(jnp.bfloat16)
        mu = jnp.dot(v16, ones_col, preferred_element_type=jnp.float32) * inv_d
        msq = jnp.dot(v16 * v16, ones_col,
                      preferred_element_type=jnp.float32) * inv_d
        var = msq - mu * mu
        return ln_g * (v - mu) * jax.lax.rsqrt(var + 1e-5) + ln_b

    x = x_text
    for _ in range(4):
        x = ln(y + x)
        y2 = _bdot(jnp.maximum(_bdot(x, W1_ref[...]) + b1_ref[...], 0.0),
                   W2_ref[...]) + b2_ref[...]
        x = ln(y2 + x)

    logits = _bdot(x, Wfc_ref[...]) + bfc_ref[...]
    lm = jnp.where(lane < NC, logits, NEG)
    lmax = jnp.max(lm, axis=1, keepdims=True)
    le = jnp.exp(lm - lmax)
    out_ref[...] = le / jnp.sum(le, axis=1, keepdims=True)


def _padded(w, b, cols):
    wp = jnp.zeros((w.shape[0], PAD), jnp.float32).at[:, :cols].set(w)
    bp = jnp.zeros((1, PAD), jnp.float32).at[:, :cols].set(b)
    return wp, bp


@jax.jit
def kernel(cls_feats, label_feats, hiddens, audio_embedding, image_results,
           W_ap, b_ap, Wq, bq, Wk, bk, Wv, bv, Wo, bo, ln_g, ln_b,
           W1, b1, W2, b2, Wfc, bfc, eW1, eb1, eW2, eb2, Wmg, bmg,
           Wg1, bg1, Wg2, bg2):
    del cls_feats, Wq, bq, Wk, bk

    cif = image_results.astype(jnp.float32).reshape(B, 1)
    label_flat = label_feats.transpose(1, 0, 2).reshape(6 * B, D)
    gathered = _sc_gather(image_results, label_flat)
    noise = jax.random.normal(jax.random.key(1), (B * E // PAD, PAD),
                              jnp.float32) * 0.1
    noise_p = jnp.zeros((B, PAD), jnp.float32).at[:, :E].set(
        noise.reshape(B, E))

    Wg2p, bg2p = _padded(Wg2, bg2, 3)
    Wmgp, bmgp = _padded(Wmg, bmg, E)
    Wfcp, bfcp = _padded(Wfc, bfc, NC)
    Wfcp = Wfcp.astype(jnp.bfloat16)
    bf = jnp.bfloat16
    eb2s = eb2.sum(0).reshape(1, D)
    Wg1h, Wvh, Woh, W1h, W2h, eW1h, eW2h = (
        w.astype(bf) for w in (Wg1, Wv, Wo, W1, W2, eW1, eW2))

    row2 = lambda v: v.reshape(1, -1)

    grid = (B // BLK,)
    bspec = lambda shape: pl.BlockSpec(shape, lambda i: (i, 0))
    wspec = lambda shape: pl.BlockSpec(shape, lambda i: (0, 0))
    wspec3 = lambda shape: pl.BlockSpec(shape, lambda i: (0, 0, 0))

    out = pl.pallas_call(
        _fused_body,
        grid=grid,
        in_specs=[
            bspec((BLK, 1)),
            bspec((BLK, D)),
            pl.BlockSpec((BLK, 1, AD), lambda i: (i, 0, 0)),
            pl.BlockSpec((BLK, 1, D), lambda i: (i, 0, 0)),
            bspec((BLK, PAD)),
            wspec((AD, D)), wspec((1, D)),
            wspec((3 * D, GH)), wspec((1, GH)),
            wspec((GH, PAD)), wspec((1, PAD)),
            wspec((D, D)), wspec((1, D)),
            wspec((D, D)), wspec((1, D)),
            wspec((D, PAD)), wspec((1, PAD)),
            wspec3((E, D, MH)), wspec((E, MH)),
            wspec3((E, MH, D)), wspec((1, D)),
            wspec((1, D)), wspec((1, D)),
            wspec((D, H)), wspec((1, H)),
            wspec((H, D)), wspec((1, D)),
            wspec((D, PAD)), wspec((1, PAD)),
        ],
        out_specs=bspec((BLK, PAD)),
        out_shape=jax.ShapeDtypeStruct((B, PAD), jnp.float32),
    )(cif, gathered, audio_embedding, hiddens, noise_p,
      W_ap, row2(b_ap), Wg1h, row2(bg1), Wg2p, bg2p,
      Wvh, row2(bv), Woh, row2(bo), Wmgp, bmgp,
      eW1h, eb1, eW2h, eb2s, row2(ln_g), row2(ln_b),
      W1h, row2(b1), W2h, row2(b2), Wfcp, bfcp)

    return out[:, :NC]

# --- scband reference (transcript-rebuilt; emitter-appended) ---
"""Pipeline reference for scband-multi-modal-classifier-24000277250503 (READ-ONLY COPY).

The authoritative reference and input builder live on the scoring server;
editing this copy changes nothing except your own understanding.
"""

import jax, jax.numpy as jnp
import numpy as np

B = 4096
D = 768
AD = 128
H = 512
NH = 4
NC = 5
E = 4
TOPK = 2
MH = 128
GH = 128


def setup_inputs(seed: int = 0):
    key = jax.random.key(seed)
    ks = jax.random.split(key, 32)
    def p(i, shape):
        return jax.random.normal(ks[i], shape, dtype=jnp.float32) * 0.02
    inp = {
        "cls_feats": jax.random.normal(ks[0], (B, D), dtype=jnp.float32),
        "label_feats": jax.random.normal(ks[1], (B, 6, D), dtype=jnp.float32),
        "hiddens": jax.random.normal(ks[2], (B, 1, D), dtype=jnp.float32),
        "audio_embedding": jax.random.normal(ks[3], (B, 1, AD), dtype=jnp.float32),
        "image_results": jax.random.randint(ks[4], (B,), 0, 6, dtype=jnp.int32),
        "W_ap": p(5, (AD, D)), "b_ap": jnp.zeros((D,), jnp.float32),
        "Wq": p(6, (D, D)), "bq": jnp.zeros((D,), jnp.float32),
        "Wk": p(7, (D, D)), "bk": jnp.zeros((D,), jnp.float32),
        "Wv": p(8, (D, D)), "bv": jnp.zeros((D,), jnp.float32),
        "Wo": p(9, (D, D)), "bo": jnp.zeros((D,), jnp.float32),
        "ln_g": jnp.ones((D,), jnp.float32), "ln_b": jnp.zeros((D,), jnp.float32),
        "W1": p(10, (D, H)), "b1": jnp.zeros((H,), jnp.float32),
        "W2": p(11, (H, D)), "b2": jnp.zeros((D,), jnp.float32),
        "Wfc": p(12, (D, NC)), "bfc": jnp.zeros((NC,), jnp.float32),
        "eW1": p(13, (E, D, MH)), "eb1": jnp.zeros((E, MH), jnp.float32),
        "eW2": p(14, (E, MH, D)), "eb2": jnp.zeros((E, D), jnp.float32),
        "Wmg": p(15, (D, E)), "bmg": jnp.zeros((E,), jnp.float32),
        "Wg1": p(16, (3 * D, GH)), "bg1": jnp.zeros((GH,), jnp.float32),
        "Wg2": p(17, (GH, 3)), "bg2": jnp.zeros((3,), jnp.float32),
    }
    return inp


def _layer_norm(x, g, b):
    mu = jnp.mean(x, axis=-1, keepdims=True)
    var = jnp.mean((x - mu) ** 2, axis=-1, keepdims=True)
    return g * (x - mu) / jnp.sqrt(var + 1e-5) + b


def _cross_attn(q_in, kv, Wq, bq, Wk, bk, Wv, bv, Wo, bo):
    Bq, T, Dm = q_in.shape
    S = kv.shape[1]
    hd = Dm // NH
    q = (q_in @ Wq + bq).reshape(Bq, T, NH, hd).transpose(0, 2, 1, 3)
    k = (kv @ Wk + bk).reshape(Bq, S, NH, hd).transpose(0, 2, 1, 3)
    v = (kv @ Wv + bv).reshape(Bq, S, NH, hd).transpose(0, 2, 1, 3)
    aw = jax.nn.softmax(jnp.matmul(q, k.transpose(0, 1, 3, 2)) / (hd ** 0.5), axis=-1)
    o = jnp.matmul(aw, v).transpose(0, 2, 1, 3).reshape(Bq, T, Dm)
    return o @ Wo + bo


def _moe(x, Wmg, bmg, eW1, eb1, eW2, eb2):
    logits = x @ Wmg + bmg
    noise = jax.random.normal(jax.random.key(1), logits.shape, dtype=logits.dtype) * 0.1
    noisy = logits + noise
    vals, idx = jax.lax.top_k(noisy, TOPK)
    w = jax.nn.softmax(vals, axis=-1)
    sparse = jnp.zeros_like(logits)
    for j in range(TOPK):
        sparse = sparse + w[..., j:j + 1] * jax.nn.one_hot(idx[..., j], E, dtype=logits.dtype)
    h = jnp.einsum('btd,edm->ebtm', x, eW1) + eb1[:, None, None, :]
    h = jax.nn.relu(h)
    eo = jnp.einsum('ebtm,emd->ebtd', h, eW2) + eb2[:, None, None, :]
    eo = eo.transpose(1, 0, 2, 3)  # torch.stack(..., dim=1) -> [B, E, T, D]
    # faithful reproduction of torch broadcast (gw[B,T,E,1] * eo[B,E,T,D]); with T=1 -> [B,E,E,D].sum(1) = [B,E,D]
    return jnp.sum(sparse[..., None] * eo, axis=1)


def reference(cls_feats, label_feats, hiddens, audio_embedding, image_results,
              W_ap, b_ap, Wq, bq, Wk, bk, Wv, bv, Wo, bo, ln_g, ln_b,
              W1, b1, W2, b2, Wfc, bfc, eW1, eb1, eW2, eb2, Wmg, bmg,
              Wg1, bg1, Wg2, bg2):
    x_aud = audio_embedding @ W_ap + b_ap
    ci = image_results
    idxb = jnp.broadcast_to(jnp.clip(ci, 0, label_feats.shape[1] - 1)[:, None, None], (ci.shape[0], 1, label_feats.shape[2]))
    gathered = jnp.take_along_axis(label_feats, idxb, axis=1)[:, 0, :]
    adjusted = jnp.where((ci == 5)[:, None], jnp.zeros_like(cls_feats), gathered)
    x_img = adjusted[:, None, :]
    x_text = hiddens
    x_cat = jnp.concatenate([x_img, x_aud, x_text], axis=-1)
    gw = jax.nn.softmax(jax.nn.relu(x_cat @ Wg1 + bg1) @ Wg2 + bg2, axis=-1)
    x_img = gw[..., 0:1] * x_img
    x_aud = gw[..., 1:2] * x_aud
    x_text = gw[..., 2:3] * x_text
    x = x_text
    for _ in range(4):
        y = _cross_attn(x_text, x_img, Wq, bq, Wk, bk, Wv, bv, Wo, bo)
        y = _cross_attn(y, x_aud, Wq, bq, Wk, bk, Wv, bv, Wo, bo)
        y = _moe(y, Wmg, bmg, eW1, eb1, eW2, eb2)
        x = _layer_norm(y + x, ln_g, ln_b)
        y2 = jax.nn.relu(x @ W1 + b1) @ W2 + b2
        x = _layer_norm(y2 + x, ln_g, ln_b)
    logits = x[:, 0, :] @ Wfc + bfc
    return jax.nn.softmax(logits, axis=1)

if __name__ == "__main__":
    import jax
    _d = setup_inputs()
    print(jax.jit(kernel)(*tuple(_d.values())))

</pallas_src>

<mosaic_0001>
#map = affine_map<(d0, d1) -> (0)>
#map1 = affine_map<(d0, d1) -> (0, 0)>
module attributes {stable_mosaic.version = 14 : i64} {
  func.func @gather_k(%arg0: i32, %arg1: i32, %arg2: memref<4096xi32, #tpu.memory_space<hbm>>, %arg3: memref<24576x768xf32, #tpu.memory_space<hbm>>, %arg4: memref<4096x768xf32, #tpu.memory_space<hbm>>, %arg5: memref<128xi32, #tpu.memory_space<vmem>>, %arg6: memref<128x768xf32, #tpu.memory_space<vmem>>, %arg7: memref<!tpu.dma_semaphore, #tpu.memory_space<semaphore_mem>>) attributes {dimension_semantics = [#tpu.dimension_semantics<core_parallel>, #tpu.dimension_semantics<subcore_parallel>], iteration_bounds = array<i64: 2, 16>, scalar_prefetch = 0 : i64, scratch_operands = 3 : i64, tpu.core_type = #tpu.core_type<sc_vector_subcore>, window_params = [{transform_indices = #map}, {transform_indices = #map1}, {transform_indices = #map1}]} {
    %mul3A = arith.constant 2 : i32
    %mul3A_0 = arith.muli %arg1, %mul3A : i32
    %add3A = arith.addi %mul3A_0, %arg0 : i32
    %mul3A_1 = arith.constant 128 : i32
    %mul3A_2 = arith.muli %add3A, %mul3A_1 : i32
    "tpu.region"() ({
      %run_scoped3A = tpu.sem_alloc : memref<!tpu.dma_semaphore, #tpu.memory_space<semaphore_mem>>
      %dma_start3A_132 = tpu.memref_slice %arg2[%mul3A_2] : memref<4096xi32, #tpu.memory_space<hbm>> -> memref<128xi32, #tpu.memory_space<hbm>>
      %dma_start3A_133 = tpu.memref_slice %arg2[%mul3A_2] : memref<4096xi32, #tpu.memory_space<hbm>> -> memref<128xi32, #tpu.memory_space<hbm>>
      tpu.enqueue_dma source(%dma_start3A_133 : memref<128xi32, #tpu.memory_space<hbm>>) target(%arg5 : memref<128xi32, #tpu.memory_space<vmem>>) target_semaphore(%run_scoped3A : memref<!tpu.dma_semaphore, #tpu.memory_space<semaphore_mem>>)
      %dma_wait3A_134 = tpu.memref_slice %arg2[%mul3A_2] : memref<4096xi32, #tpu.memory_space<hbm>> -> memref<128xi32, #tpu.memory_space<hbm>>
      %dma_wait3A_135 = tpu.memref_slice %arg2[%mul3A_2] : memref<4096xi32, #tpu.memory_space<hbm>> -> memref<128xi32, #tpu.memory_space<hbm>>
      tpu.wait_dma2 semaphore(%run_scoped3A : memref<!tpu.dma_semaphore, #tpu.memory_space<semaphore_mem>>) src(%dma_wait3A_135 : memref<128xi32, #tpu.memory_space<hbm>>) dst(%arg5 : memref<128xi32, #tpu.memory_space<vmem>>)
      tpu.yield
    }) : () -> ()
    %iota3A = tpu.iota {dimensions = array<i32: 0>} : vector<16xi32>
    %add3A_3 = arith.constant 0 : i32
    %add3A_4 = arith.addi %mul3A_2, %add3A_3 : i32
    %add3A_5 = vector.broadcast %add3A_4 : i32 to vector<16xi32>
    %add3A_6 = arith.addi %iota3A, %add3A_5 : vector<16xi32>
    %get3A = arith.constant 0 : index
    %get3A_7 = tpu.vector_load %arg5[%get3A] {strides = array<i32>} : memref<128xi32, #tpu.memory_space<vmem>>, vector<16xi32>,
    %get3A_8 = vector.shape_cast %get3A_7 : vector<16xi32> to vector<16xi32>
    %mul3A_9 = arith.constant 4096 : i32
    %mul3A_10 = vector.broadcast %mul3A_9 : i32 to vector<16xi32>
    %mul3A_11 = arith.muli %get3A_8, %mul3A_10 : vector<16xi32>
    %add3A_12 = arith.addi %mul3A_11, %add3A_6 : vector<16xi32>
    %swap3A = arith.constant 0 : index
    %swap3A_13 = tpu.vector_load %arg5[%swap3A] {strides = array<i32>} : memref<128xi32, #tpu.memory_space<vmem>>, vector<16xi32>,
    %swap3A_14 = vector.shape_cast %swap3A_13 : vector<16xi32> to vector<16xi32>
    %swap3A_15 = vector.shape_cast %add3A_12 : vector<16xi32> to vector<16xi32>
    tpu.vector_store %arg5[%swap3A], %swap3A_15 {strides = array<i32>} : memref<128xi32, #tpu.memory_space<vmem>>, vector<16xi32>,
    %iota3A_16 = tpu.iota {dimensions = array<i32: 0>} : vector<16xi32>
    %add3A_17 = arith.constant 16 : i32
    %add3A_18 = arith.addi %mul3A_2, %add3A_17 : i32
    %add3A_19 = vector.broadcast %add3A_18 : i32 to vector<16xi32>
    %add3A_20 = arith.addi %iota3A_16, %add3A_19 : vector<16xi32>
    %get3A_21 = arith.constant 16 : index
    %get3A_22 = tpu.vector_load %arg5[%get3A_21] {strides = array<i32>} : memref<128xi32, #tpu.memory_space<vmem>>, vector<16xi32>,
    %get3A_23 = vector.shape_cast %get3A_22 : vector<16xi32> to vector<16xi32>
    %mul3A_24 = arith.constant 4096 : i32
    %mul3A_25 = vector.broadcast %mul3A_24 : i32 to vector<16xi32>
    %mul3A_26 = arith.muli %get3A_23, %mul3A_25 : vector<16xi32>
    %add3A_27 = arith.addi %mul3A_26, %add3A_20 : vector<16xi32>
    %swap3A_28 = arith.constant 16 : index
    %swap3A_29 = tpu.vector_load %arg5[%swap3A_28] {strides = array<i32>} : memref<128xi32, #tpu.memory_space<vmem>>, vector<16xi32>,
    %swap3A_30 = vector.shape_cast %swap3A_29 : vector<16xi32> to vector<16xi32>
    %swap3A_31 = vector.shape_cast %add3A_27 : vector<16xi32> to vector<16xi32>
    tpu.vector_store %arg5[%swap3A_28], %swap3A_31 {strides = array<i32>} : memref<128xi32, #tpu.memory_space<vmem>>, vector<16xi32>,
    %iota3A_32 = tpu.iota {dimensions = array<i32: 0>} : vector<16xi32>
    %add3A_33 = arith.constant 32 : i32
    %add3A_34 = arith.addi %mul3A_2, %add3A_33 : i32
    %add3A_35 = vector.broadcast %add3A_34 : i32 to vector<16xi32>
    %add3A_36 = arith.addi %iota3A_32, %add3A_35 : vector<16xi32>
    %get3A_37 = arith.constant 32 : index
    %get3A_38 = tpu.vector_load %arg5[%get3A_37] {strides = array<i32>} : memref<128xi32, #tpu.memory_space<vmem>>, vector<16xi32>,
    %get3A_39 = vector.shape_cast %get3A_38 : vector<16xi32> to vector<16xi32>
    %mul3A_40 = arith.constant 4096 : i32
    %mul3A_41 = vector.broadcast %mul3A_40 : i32 to vector<16xi32>
    %mul3A_42 = arith.muli %get3A_39, %mul3A_41 : vector<16xi32>
    %add3A_43 = arith.addi %mul3A_42, %add3A_36 : vector<16xi32>
    %swap3A_44 = arith.constant 32 : index
    %swap3A_45 = tpu.vector_load %arg5[%swap3A_44] {strides = array<i32>} : memref<128xi32, #tpu.memory_space<vmem>>, vector<16xi32>,
    %swap3A_46 = vector.shape_cast %swap3A_45 : vector<16xi32> to vector<16xi32>
    %swap3A_47 = vector.shape_cast %add3A_43 : vector<16xi32> to vector<16xi32>
    tpu.vector_store %arg5[%swap3A_44], %swap3A_47 {strides = array<i32>} : memref<128xi32, #tpu.memory_space<vmem>>, vector<16xi32>,
    %iota3A_48 = tpu.iota {dimensions = array<i32: 0>} : vector<16xi32>
    %add3A_49 = arith.constant 48 : i32
    %add3A_50 = arith.addi %mul3A_2, %add3A_49 : i32
    %add3A_51 = vector.broadcast %add3A_50 : i32 to vector<16xi32>
    %add3A_52 = arith.addi %iota3A_48, %add3A_51 : vector<16xi32>
    %get3A_53 = arith.constant 48 : index
    %get3A_54 = tpu.vector_load %arg5[%get3A_53] {strides = array<i32>} : memref<128xi32, #tpu.memory_space<vmem>>, vector<16xi32>,
    %get3A_55 = vector.shape_cast %get3A_54 : vector<16xi32> to vector<16xi32>
    %mul3A_56 = arith.constant 4096 : i32
    %mul3A_57 = vector.broadcast %mul3A_56 : i32 to vector<16xi32>
    %mul3A_58 = arith.muli %get3A_55, %mul3A_57 : vector<16xi32>
    %add3A_59 = arith.addi %mul3A_58, %add3A_52 : vector<16xi32>
    %swap3A_60 = arith.constant 48 : index
    %swap3A_61 = tpu.vector_load %arg5[%swap3A_60] {strides = array<i32>} : memref<128xi32, #tpu.memory_space<vmem>>, vector<16xi32>,
    %swap3A_62 = vector.shape_cast %swap3A_61 : vector<16xi32> to vector<16xi32>
    %swap3A_63 = vector.shape_cast %add3A_59 : vector<16xi32> to vector<16xi32>
    tpu.vector_store %arg5[%swap3A_60], %swap3A_63 {strides = array<i32>} : memref<128xi32, #tpu.memory_space<vmem>>, vector<16xi32>,
    %iota3A_64 = tpu.iota {dimensions = array<i32: 0>} : vector<16xi32>
    %add3A_65 = arith.constant 64 : i32
    %add3A_66 = arith.addi %mul3A_2, %add3A_65 : i32
    %add3A_67 = vector.broadcast %add3A_66 : i32 to vector<16xi32>
    %add3A_68 = arith.addi %iota3A_64, %add3A_67 : vector<16xi32>
    %get3A_69 = arith.constant 64 : index
    %get3A_70 = tpu.vector_load %arg5[%get3A_69] {strides = array<i32>} : memref<128xi32, #tpu.memory_space<vmem>>, vector<16xi32>,
    %get3A_71 = vector.shape_cast %get3A_70 : vector<16xi32> to vector<16xi32>
    %mul3A_72 = arith.constant 4096 : i32
    %mul3A_73 = vector.broadcast %mul3A_72 : i32 to vector<16xi32>
    %mul3A_74 = arith.muli %get3A_71, %mul3A_73 : vector<16xi32>
    %add3A_75 = arith.addi %mul3A_74, %add3A_68 : vector<16xi32>
    %swap3A_76 = arith.constant 64 : index
    %swap3A_77 = tpu.vector_load %arg5[%swap3A_76] {strides = array<i32>} : memref<128xi32, #tpu.memory_space<vmem>>, vector<16xi32>,
    %swap3A_78 = vector.shape_cast %swap3A_77 : vector<16xi32> to vector<16xi32>
    %swap3A_79 = vector.shape_cast %add3A_75 : vector<16xi32> to vector<16xi32>
    tpu.vector_store %arg5[%swap3A_76], %swap3A_79 {strides = array<i32>} : memref<128xi32, #tpu.memory_space<vmem>>, vector<16xi32>,
    %iota3A_80 = tpu.iota {dimensions = array<i32: 0>} : vector<16xi32>
    %add3A_81 = arith.constant 80 : i32
    %add3A_82 = arith.addi %mul3A_2, %add3A_81 : i32
    %add3A_83 = vector.broadcast %add3A_82 : i32 to vector<16xi32>
    %add3A_84 = arith.addi %iota3A_80, %add3A_83 : vector<16xi32>
    %get3A_85 = arith.constant 80 : index
    %get3A_86 = tpu.vector_load %arg5[%get3A_85] {strides = array<i32>} : memref<128xi32, #tpu.memory_space<vmem>>, vector<16xi32>,
    %get3A_87 = vector.shape_cast %get3A_86 : vector<16xi32> to vector<16xi32>
    %mul3A_88 = arith.constant 4096 : i32
    %mul3A_89 = vector.broadcast %mul3A_88 : i32 to vector<16xi32>
    %mul3A_90 = arith.muli %get3A_87, %mul3A_89 : vector<16xi32>
    %add3A_91 = arith.addi %mul3A_90, %add3A_84 : vector<16xi32>
    %swap3A_92 = arith.constant 80 : index
    %swap3A_93 = tpu.vector_load %arg5[%swap3A_92] {strides = array<i32>} : memref<128xi32, #tpu.memory_space<vmem>>, vector<16xi32>,
    %swap3A_94 = vector.shape_cast %swap3A_93 : vector<16xi32> to vector<16xi32>
    %swap3A_95 = vector.shape_cast %add3A_91 : vector<16xi32> to vector<16xi32>
    tpu.vector_store %arg5[%swap3A_92], %swap3A_95 {strides = array<i32>} : memref<128xi32, #tpu.memory_space<vmem>>, vector<16xi32>,
    %iota3A_96 = tpu.iota {dimensions = array<i32: 0>} : vector<16xi32>
    %add3A_97 = arith.constant 96 : i32
    %add3A_98 = arith.addi %mul3A_2, %add3A_97 : i32
    %add3A_99 = vector.broadcast %add3A_98 : i32 to vector<16xi32>
    %add3A_100 = arith.addi %iota3A_96, %add3A_99 : vector<16xi32>
    %get3A_101 = arith.constant 96 : index
    %get3A_102 = tpu.vector_load %arg5[%get3A_101] {strides = array<i32>} : memref<128xi32, #tpu.memory_space<vmem>>, vector<16xi32>,
    %get3A_103 = vector.shape_cast %get3A_102 : vector<16xi32> to vector<16xi32>
    %mul3A_104 = arith.constant 4096 : i32
    %mul3A_105 = vector.broadcast %mul3A_104 : i32 to vector<16xi32>
    %mul3A_106 = arith.muli %get3A_103, %mul3A_105 : vector<16xi32>
    %add3A_107 = arith.addi %mul3A_106, %add3A_100 : vector<16xi32>
    %swap3A_108 = arith.constant 96 : index
    %swap3A_109 = tpu.vector_load %arg5[%swap3A_108] {strides = array<i32>} : memref<128xi32, #tpu.memory_space<vmem>>, vector<16xi32>,
    %swap3A_110 = vector.shape_cast %swap3A_109 : vector<16xi32> to vector<16xi32>
    %swap3A_111 = vector.shape_cast %add3A_107 : vector<16xi32> to vector<16xi32>
    tpu.vector_store %arg5[%swap3A_108], %swap3A_111 {strides = array<i32>} : memref<128xi32, #tpu.memory_space<vmem>>, vector<16xi32>,
    %iota3A_112 = tpu.iota {dimensions = array<i32: 0>} : vector<16xi32>
    %add3A_113 = arith.constant 112 : i32
    %add3A_114 = arith.addi %mul3A_2, %add3A_113 : i32
    %add3A_115 = vector.broadcast %add3A_114 : i32 to vector<16xi32>
    %add3A_116 = arith.addi %iota3A_112, %add3A_115 : vector<16xi32>
    %get3A_117 = arith.constant 112 : index
    %get3A_118 = tpu.vector_load %arg5[%get3A_117] {strides = array<i32>} : memref<128xi32, #tpu.memory_space<vmem>>, vector<16xi32>,
    %get3A_119 = vector.shape_cast %get3A_118 : vector<16xi32> to vector<16xi32>
    %mul3A_120 = arith.constant 4096 : i32
    %mul3A_121 = vector.broadcast %mul3A_120 : i32 to vector<16xi32>
    %mul3A_122 = arith.muli %get3A_119, %mul3A_121 : vector<16xi32>
    %add3A_123 = arith.addi %mul3A_122, %add3A_116 : vector<16xi32>
    %swap3A_124 = arith.constant 112 : index
    %swap3A_125 = tpu.vector_load %arg5[%swap3A_124] {strides = array<i32>} : memref<128xi32, #tpu.memory_space<vmem>>, vector<16xi32>,
    %swap3A_126 = vector.shape_cast %swap3A_125 : vector<16xi32> to vector<16xi32>
    %swap3A_127 = vector.shape_cast %add3A_123 : vector<16xi32> to vector<16xi32>
    tpu.vector_store %arg5[%swap3A_124], %swap3A_127 {strides = array<i32>} : memref<128xi32, #tpu.memory_space<vmem>>, vector<16xi32>,
    %dma_start3A = arith.constant 0 : i32
    %dma_start3A_128 = arith.constant 0 : i32
    %dma_start3A_129 = tpu.memref_slice %arg3[%dma_start3A, %dma_start3A_128] : memref<24576x768xf32, #tpu.memory_space<hbm>> -> memref<24576x768xf32, #tpu.memory_space<hbm>>
    tpu.enqueue_indirect_dma source(%dma_start3A_129 : memref<24576x768xf32, #tpu.memory_space<hbm>>) target(%arg6 : memref<128x768xf32, #tpu.memory_space<vmem>>) offsets(%arg5 : memref<128xi32, #tpu.memory_space<vmem>>) semaphore(%arg7 : memref<!tpu.dma_semaphore, #tpu.memory_space<semaphore_mem>>)
    %dma_wait3A = arith.constant 0 : i32
    %dma_wait3A_130 = arith.constant 0 : i32
    %dma_wait3A_131 = tpu.memref_slice %arg3[%dma_wait3A, %dma_wait3A_130] : memref<24576x768xf32, #tpu.memory_space<hbm>> -> memref<24576x768xf32, #tpu.memory_space<hbm>>
    tpu.wait_indirect_dma semaphore(%arg7 : memref<!tpu.dma_semaphore, #tpu.memory_space<semaphore_mem>>) src(%dma_wait3A_131 : memref<24576x768xf32, #tpu.memory_space<hbm>>) dst(%arg6 : memref<128x768xf32, #tpu.memory_space<vmem>>)
    "tpu.region"() ({
      %run_scoped3A = tpu.sem_alloc : memref<!tpu.dma_semaphore, #tpu.memory_space<semaphore_mem>>
      %dma_start3A_132 = arith.constant 0 : i32
      %dma_start3A_133 = tpu.memref_slice %arg4[%mul3A_2, %dma_start3A_132] : memref<4096x768xf32, #tpu.memory_space<hbm>> -> memref<128x768xf32, #tpu.memory_space<hbm>>
      %dma_start3A_134 = arith.constant 0 : i32
      %dma_start3A_135 = tpu.memref_slice %arg4[%mul3A_2, %dma_start3A_134] : memref<4096x768xf32, #tpu.memory_space<hbm>> -> memref<128x768xf32, #tpu.memory_space<hbm>>
      tpu.enqueue_dma source(%arg6 : memref<128x768xf32, #tpu.memory_space<vmem>>) target(%dma_start3A_135 : memref<128x768xf32, #tpu.memory_space<hbm>>) target_semaphore(%run_scoped3A : memref<!tpu.dma_semaphore, #tpu.memory_space<semaphore_mem>>)
      %dma_wait3A_136 = arith.constant 0 : i32
      %dma_wait3A_137 = tpu.memref_slice %arg4[%mul3A_2, %dma_wait3A_136] : memref<4096x768xf32, #tpu.memory_space<hbm>> -> memref<128x768xf32, #tpu.memory_space<hbm>>
      %dma_wait3A_138 = arith.constant 0 : i32
      %dma_wait3A_139 = tpu.memref_slice %arg4[%mul3A_2, %dma_wait3A_138] : memref<4096x768xf32, #tpu.memory_space<hbm>> -> memref<128x768xf32, #tpu.memory_space<hbm>>
      tpu.wait_dma2 semaphore(%run_scoped3A : memref<!tpu.dma_semaphore, #tpu.memory_space<semaphore_mem>>) src(%arg6 : memref<128x768xf32, #tpu.memory_space<vmem>>) dst(%dma_wait3A_139 : memref<128x768xf32, #tpu.memory_space<hbm>>)
      tpu.yield
    }) : () -> ()
    return
  }
}

module attributes {stable_mosaic.version = 14 : i64} {
  func.func @_fused_body(%arg0: i32, %arg1: memref<1024x1xf32, #tpu.memory_space<vmem>>, %arg2: memref<1024x768xf32, #tpu.memory_space<vmem>>, %arg3: memref<1024x1x128xf32, #tpu.memory_space<vmem>>, %arg4: memref<1024x1x768xf32, #tpu.memory_space<vmem>>, %arg5: memref<1024x128xf32, #tpu.memory_space<vmem>>, %arg6: memref<128x768xf32, #tpu.memory_space<vmem>>, %arg7: memref<1x768xf32, #tpu.memory_space<vmem>>, %arg8: memref<2304x128xbf16, #tpu.memory_space<vmem>>, %arg9: memref<1x128xf32, #tpu.memory_space<vmem>>, %arg10: memref<128x128xf32, #tpu.memory_space<vmem>>, %arg11: memref<1x128xf32, #tpu.memory_space<vmem>>, %arg12: memref<768x768xbf16, #tpu.memory_space<vmem>>, %arg13: memref<1x768xf32, #tpu.memory_space<vmem>>, %arg14: memref<768x768xbf16, #tpu.memory_space<vmem>>, %arg15: memref<1x768xf32, #tpu.memory_space<vmem>>, %arg16: memref<768x128xf32, #tpu.memory_space<vmem>>, %arg17: memref<1x128xf32, #tpu.memory_space<vmem>>, %arg18: memref<4x768x128xbf16, #tpu.memory_space<vmem>>, %arg19: memref<4x128xf32, #tpu.memory_space<vmem>>, %arg20: memref<4x128x768xbf16, #tpu.memory_space<vmem>>, %arg21: memref<1x768xf32, #tpu.memory_space<vmem>>, %arg22: memref<1x768xf32, #tpu.memory_space<vmem>>, %arg23: memref<1x768xf32, #tpu.memory_space<vmem>>, %arg24: memref<768x512xbf16, #tpu.memory_space<vmem>>, %arg25: memref<1x512xf32, #tpu.memory_space<vmem>>, %arg26: memref<512x768xbf16, #tpu.memory_space<vmem>>, %arg27: memref<1x768xf32, #tpu.memory_space<vmem>>, %arg28: memref<768x128xbf16, #tpu.memory_space<vmem>>, %arg29: memref<1x128xf32, #tpu.memory_space<vmem>>, %arg30: memref<1024x128xf32, #tpu.memory_space<vmem>>) attributes {dimension_semantics = [#tpu.dimension_semantics<arbitrary>], iteration_bounds = array<i64: 4>, scalar_prefetch = 0 : i64, scratch_operands = 0 : i64, tpu.core_type = #tpu.core_type<tc>, window_params = [{transform_indices = @transform_0, window_bounds = array<i64: 1024, 1>}, {transform_indices = @transform_1, window_bounds = array<i64: 1024, 768>}, {transform_indices = @transform_2, window_bounds = array<i64: 1024, 1, 128>}, {transform_indices = @transform_3, window_bounds = array<i64: 1024, 1, 768>}, {transform_indices = @transform_4, window_bounds = array<i64: 1024, 128>}, {pipeline_mode = #tpu.pipeline_mode<synchronous>, transform_indices = @transform_5, window_bounds = array<i64: 128, 768>}, {pipeline_mode = #tpu.pipeline_mode<synchronous>, transform_indices = @transform_6, window_bounds = array<i64: 1, 768>}, {pipeline_mode = #tpu.pipeline_mode<synchronous>, transform_indices = @transform_7, window_bounds = array<i64: 2304, 128>}, {pipeline_mode = #tpu.pipeline_mode<synchronous>, transform_indices = @transform_8, window_bounds = array<i64: 1, 128>}, {pipeline_mode = #tpu.pipeline_mode<synchronous>, transform_indices = @transform_9, window_bounds = array<i64: 128, 128>}, {pipeline_mode = #tpu.pipeline_mode<synchronous>, transform_indices = @transform_10, window_bounds = array<i64: 1, 128>}, {pipeline_mode = #tpu.pipeline_mode<synchronous>, transform_indices = @transform_11, window_bounds = array<i64: 768, 768>}, {pipeline_mode = #tpu.pipeline_mode<synchronous>, transform_indices = @transform_12, window_bounds = array<i64: 1, 768>}, {pipeline_mode = #tpu.pipeline_mode<synchronous>, transform_indices = @transform_13, window_bounds = array<i64: 768, 768>}, {pipeline_mode = #tpu.pipeline_mode<synchronous>, transform_indices = @transform_14, window_bounds = array<i64: 1, 768>}, {pipeline_mode = #tpu.pipeline_mode<synchronous>, transform_indices = @transform_15, window_bounds = array<i64: 768, 128>}, {pipeline_mode = #tpu.pipeline_mode<synchronous>, transform_indices = @transform_16, window_bounds = array<i64: 1, 128>}, {pipeline_mode = #tpu.pipeline_mode<synchronous>, transform_indices = @transform_17, window_bounds = array<i64: 4, 768, 128>}, {pipeline_mode = #tpu.pipeline_mode<synchronous>, transform_indices = @transform_18, window_bounds = array<i64: 4, 128>}, {pipeline_mode = #tpu.pipeline_mode<synchronous>, transform_indices = @transform_19, window_bounds = array<i64: 4, 128, 768>}, {pipeline_mode = #tpu.pipeline_mode<synchronous>, transform_indices = @transform_20, window_bounds = array<i64: 1, 768>}, {pipeline_mode = #tpu.pipeline_mode<synchronous>, transform_indices = @transform_21, window_bounds = array<i64: 1, 768>}, {pipeline_mode = #tpu.pipeline_mode<synchronous>, transform_indices = @transform_22, window_bounds = array<i64: 1, 768>}, {pipeline_mode = #tpu.pipeline_mode<synchronous>, transform_indices = @transform_23, window_bounds = array<i64: 768, 512>}, {pipeline_mode = #tpu.pipeline_mode<synchronous>, transform_indices = @transform_24, window_bounds = array<i64: 1, 512>}, {pipeline_mode = #tpu.pipeline_mode<synchronous>, transform_indices = @transform_25, window_bounds = array<i64: 512, 768>}, {pipeline_mode = #tpu.pipeline_mode<synchronous>, transform_indices = @transform_26, window_bounds = array<i64: 1, 768>}, {pipeline_mode = #tpu.pipeline_mode<synchronous>, transform_indices = @transform_27, window_bounds = array<i64: 768, 128>}, {pipeline_mode = #tpu.pipeline_mode<synchronous>, transform_indices = @transform_28, window_bounds = array<i64: 1, 128>}, {transform_indices = @transform_29, window_bounds = array<i64: 1024, 128>}]} {
    %get3A = arith.constant 0 : index
    %get3A_0 = arith.constant 0 : index
    %get3A_1 = vector.load %arg1[%get3A, %get3A_0] : memref<1024x1xf32, #tpu.memory_space<vmem>>, vector<1024x1xf32>
    %iota3A = tpu.iota {dimensions = array<i32: 1>} : vector<1024x128xi32>
    %get3A_2 = arith.constant 0 : index
    %get3A_3 = arith.constant 0 : index
    %get3A_4 = arith.constant 0 : index
    %get3A_5 = vector.load %arg4[%get3A_2, %get3A_3, %get3A_4] : memref<1024x1x768xf32, #tpu.memory_space<vmem>>, vector<1024x1x768xf32>
    %get3A_6 = vector.shape_cast %get3A_5 : vector<1024x1x768xf32> to vector<1024x768xf32>
    %get3A_7 = arith.constant 0 : index
    %get3A_8 = arith.constant 0 : index
    %get3A_9 = arith.constant 0 : index
    %get3A_10 = vector.load %arg3[%get3A_7, %get3A_8, %get3A_9] : memref<1024x1x128xf32, #tpu.memory_space<vmem>>, vector<1024x1x128xf32>
    %get3A_11 = vector.shape_cast %get3A_10 : vector<1024x1x128xf32> to vector<1024x128xf32>
    %get3A_12 = arith.constant 0 : index
    %get3A_13 = arith.constant 0 : index
    %get3A_14 = vector.load %arg6[%get3A_12, %get3A_13] : memref<128x768xf32, #tpu.memory_space<vmem>>, vector<128x768xf32>
    %dot_general3A = arith.constant dense<0.000000e+00> : vector<1024x768xf32>
    %dot_general3A_15 = tpu.matmul %get3A_11, %get3A_14, %dot_general3A {dimension_numbers = #tpu.dot_dimension_numbers<[1], [0], [0], [1], [0, 0, 1, 1], [], []>, transpose_lhs_hint = false} : vector<1024x128xf32>, vector<128x768xf32>, vector<1024x768xf32> -> vector<1024x768xf32>
    %get3A_16 = arith.constant 0 : index
    %get3A_17 = arith.constant 0 : index
    %get3A_18 = vector.load %arg7[%get3A_16, %get3A_17] : memref<1x768xf32, #tpu.memory_space<vmem>>, vector<1x768xf32>
    %add3A = vector.broadcast %get3A_18 : vector<1x768xf32> to vector<1024x768xf32>
    %add3A_19 = arith.addf %dot_general3A_15, %add3A : vector<1024x768xf32>
    %eq3A = arith.constant 5.000000e+00 : f32
    %eq3A_20 = vector.broadcast %eq3A : f32 to vector<1024x1xf32>
    %eq3A_21 = arith.cmpf oeq, %get3A_1, %eq3A_20 : vector<1024x1xf32>
    %jit3A = arith.constant 0.000000e+00 : f32
    %jit3A_22 = arith.constant 1.000000e+00 : f32
    %broadcast_in_dim3A = vector.broadcast %jit3A : f32 to vector<1024x1xf32>
    %broadcast_in_dim3A_23 = vector.broadcast %jit3A_22 : f32 to vector<1024x1xf32>
    %select_n3A = arith.select %eq3A_21, %broadcast_in_dim3A, %broadcast_in_dim3A_23 : vector<1024x1xi1>, vector<1024x1xf32>
    %get3A_24 = arith.constant 0 : index
    %get3A_25 = arith.constant 0 : index
    %get3A_26 = vector.load %arg2[%get3A_24, %get3A_25] : memref<1024x768xf32, #tpu.memory_space<vmem>>, vector<1024x768xf32>
    %mul3A = vector.broadcast %select_n3A : vector<1024x1xf32> to vector<1024x768xf32>
    %mul3A_27 = arith.mulf %mul3A, %get3A_26 : vector<1024x768xf32>
    %get3A_28 = arith.constant 0 : index
    %get3A_29 = arith.constant 0 : index
    %get3A_30 = vector.load %arg8[%get3A_28, %get3A_29] : memref<2304x128xbf16, #tpu.memory_space<vmem>>, vector<768x128xbf16>
    %convert_element_type3A = arith.truncf %mul3A_27 : vector<1024x768xf32> to vector<1024x768xbf16>
    %dot_general3A_31 = arith.constant dense<0.000000e+00> : vector<1024x128xf32>
    %dot_general3A_32 = tpu.matmul %convert_element_type3A, %get3A_30, %dot_general3A_31 {dimension_numbers = #tpu.dot_dimension_numbers<[1], [0], [0], [1], [0, 0, 1, 1], [], []>, transpose_lhs_hint = false} : vector<1024x768xbf16>, vector<768x128xbf16>, vector<1024x128xf32> -> vector<1024x128xf32>
    %get3A_33 = arith.constant 768 : index
    %get3A_34 = arith.constant 0 : index
    %get3A_35 = vector.load %arg8[%get3A_33, %get3A_34] : memref<2304x128xbf16, #tpu.memory_space<vmem>>, vector<768x128xbf16>
    %convert_element_type3A_36 = arith.truncf %add3A_19 : vector<1024x768xf32> to vector<1024x768xbf16>
    %dot_general3A_37 = arith.constant dense<0.000000e+00> : vector<1024x128xf32>
    %dot_general3A_38 = tpu.matmul %convert_element_type3A_36, %get3A_35, %dot_general3A_37 {dimension_numbers = #tpu.dot_dimension_numbers<[1], [0], [0], [1], [0, 0, 1, 1], [], []>, transpose_lhs_hint = false} : vector<1024x768xbf16>, vector<768x128xbf16>, vector<1024x128xf32> -> vector<1024x128xf32>
    %add3A_39 = arith.addf %dot_general3A_32, %dot_general3A_38 : vector<1024x128xf32>
    %get3A_40 = arith.constant 1536 : index
    %get3A_41 = arith.constant 0 : index
    %get3A_42 = vector.load %arg8[%get3A_40, %get3A_41] : memref<2304x128xbf16, #tpu.memory_space<vmem>>, vector<768x128xbf16>
    %convert_element_type3A_43 = arith.truncf %get3A_6 : vector<1024x768xf32> to vector<1024x768xbf16>
    %dot_general3A_44 = arith.constant dense<0.000000e+00> : vector<1024x128xf32>
    %dot_general3A_45 = tpu.matmul %convert_element_type3A_43, %get3A_42, %dot_general3A_44 {dimension_numbers = #tpu.dot_dimension_numbers<[1], [0], [0], [1], [0, 0, 1, 1], [], []>, transpose_lhs_hint = false} : vector<1024x768xbf16>, vector<768x128xbf16>, vector<1024x128xf32> -> vector<1024x128xf32>
    %add3A_46 = arith.addf %add3A_39, %dot_general3A_45 : vector<1024x128xf32>
    %get3A_47 = arith.constant 0 : index
    %get3A_48 = arith.constant 0 : index
    %get3A_49 = vector.load %arg9[%get3A_47, %get3A_48] : memref<1x128xf32, #tpu.memory_space<vmem>>, vector<1x128xf32>
    %add3A_50 = vector.broadcast %get3A_49 : vector<1x128xf32> to vector<1024x128xf32>
    %add3A_51 = arith.addf %add3A_46, %add3A_50 : vector<1024x128xf32>
    %max3A = arith.constant 0.000000e+00 : f32
    %max3A_52 = vector.broadcast %max3A : f32 to vector<1024x128xf32>
    %max3A_53 = arith.maximumf %add3A_51, %max3A_52 : vector<1024x128xf32>
    %get3A_54 = arith.constant 0 : index
    %get3A_55 = arith.constant 0 : index
    %get3A_56 = vector.load %arg10[%get3A_54, %get3A_55] : memref<128x128xf32, #tpu.memory_space<vmem>>, vector<128x128xf32>
    %dot_general3A_57 = arith.constant dense<0.000000e+00> : vector<1024x128xf32>
    %dot_general3A_58 = tpu.matmul %max3A_53, %get3A_56, %dot_general3A_57 {dimension_numbers = #tpu.dot_dimension_numbers<[1], [0], [0], [1], [0, 0, 1, 1], [], []>, transpose_lhs_hint = false} : vector<1024x128xf32>, vector<128x128xf32>, vector<1024x128xf32> -> vector<1024x128xf32>
    %get3A_59 = arith.constant 0 : index
    %get3A_60 = arith.constant 0 : index
    %get3A_61 = vector.load %arg11[%get3A_59, %get3A_60] : memref<1x128xf32, #tpu.memory_space<vmem>>, vector<1x128xf32>
    %add3A_62 = vector.broadcast %get3A_61 : vector<1x128xf32> to vector<1024x128xf32>
    %add3A_63 = arith.addf %dot_general3A_58, %add3A_62 : vector<1024x128xf32>
    %lt3A = arith.constant 3 : i32
    %lt3A_64 = vector.broadcast %lt3A : i32 to vector<1024x128xi32>
    %lt3A_65 = arith.cmpi slt, %iota3A, %lt3A_64 : vector<1024x128xi32>
    %jit3A_66 = arith.constant -1.000000e+30 : f32
    %broadcast_in_dim3A_67 = vector.broadcast %jit3A_66 : f32 to vector<1024x128xf32>
    %select_n3A_68 = arith.select %lt3A_65, %add3A_63, %broadcast_in_dim3A_67 : vector<1024x128xi1>, vector<1024x128xf32>
    %reduce_max3A = arith.constant dense<0xFF800000> : vector<1024xf32>
    %reduce_max3A_69 = vector.multi_reduction <maximumf>, %select_n3A_68, %reduce_max3A [1] : vector<1024x128xf32> to vector<1024xf32>
    %broadcast_in_dim3A_70 = vector.shape_cast %reduce_max3A_69 : vector<1024xf32> to vector<1024x1xf32>
    %sub3A = vector.broadcast %broadcast_in_dim3A_70 : vector<1024x1xf32> to vector<1024x128xf32>
    %sub3A_71 = arith.subf %select_n3A_68, %sub3A : vector<1024x128xf32>
    %exp3A = math.exp %sub3A_71 : vector<1024x128xf32>
    %reduce_sum3A = arith.constant dense<0.000000e+00> : vector<1024xf32>
    %reduce_sum3A_72 = vector.multi_reduction <add>, %exp3A, %reduce_sum3A [1] : vector<1024x128xf32> to vector<1024xf32>
    %broadcast_in_dim3A_73 = vector.shape_cast %reduce_sum3A_72 : vector<1024xf32> to vector<1024x1xf32>
    %div3A = vector.broadcast %broadcast_in_dim3A_73 : vector<1024x1xf32> to vector<1024x128xf32>
    %div3A_74 = arith.divf %exp3A, %div3A : vector<1024x128xf32>
    %slice3A = vector.extract_strided_slice %div3A_74 {offsets = [0, 1], sizes = [1024, 1], strides = [1, 1]} : vector<1024x128xf32> to vector<1024x1xf32>
    %mul3A_75 = vector.broadcast %slice3A : vector<1024x1xf32> to vector<1024x768xf32>
    %mul3A_76 = arith.mulf %mul3A_75, %add3A_19 : vector<1024x768xf32>
    %slice3A_77 = vector.extract_strided_slice %div3A_74 {offsets = [0, 2], sizes = [1024, 1], strides = [1, 1]} : vector<1024x128xf32> to vector<1024x1xf32>
    %mul3A_78 = vector.broadcast %slice3A_77 : vector<1024x1xf32> to vector<1024x768xf32>
    %mul3A_79 = arith.mulf %mul3A_78, %get3A_6 : vector<1024x768xf32>
    %get3A_80 = arith.constant 0 : index
    %get3A_81 = arith.constant 0 : index
    %get3A_82 = vector.load %arg12[%get3A_80, %get3A_81] : memref<768x768xbf16, #tpu.memory_space<vmem>>, vector<768x768xbf16>
    %convert_element_type3A_83 = arith.truncf %mul3A_76 : vector<1024x768xf32> to vector<1024x768xbf16>
    %dot_general3A_84 = arith.constant dense<0.000000e+00> : vector<1024x768xf32>
    %dot_general3A_85 = tpu.matmul %convert_element_type3A_83, %get3A_82, %dot_general3A_84 {dimension_numbers = #tpu.dot_dimension_numbers<[1], [0], [0], [1], [0, 0, 1, 1], [], []>, transpose_lhs_hint = false} : vector<1024x768xbf16>, vector<768x768xbf16>, vector<1024x768xf32> -> vector<1024x768xf32>
    %get3A_86 = arith.constant 0 : index
    %get3A_87 = arith.constant 0 : index
    %get3A_88 = vector.load %arg13[%get3A_86, %get3A_87] : memref<1x768xf32, #tpu.memory_space<vmem>>, vector<1x768xf32>
    %add3A_89 = vector.broadcast %get3A_88 : vector<1x768xf32> to vector<1024x768xf32>
    %add3A_90 = arith.addf %dot_general3A_85, %add3A_89 : vector<1024x768xf32>
    %get3A_91 = arith.constant 0 : index
    %get3A_92 = arith.constant 0 : index
    %get3A_93 = vector.load %arg14[%get3A_91, %get3A_92] : memref<768x768xbf16, #tpu.memory_space<vmem>>, vector<768x768xbf16>
    %convert_element_type3A_94 = arith.truncf %add3A_90 : vector<1024x768xf32> to vector<1024x768xbf16>
    %dot_general3A_95 = arith.constant dense<0.000000e+00> : vector<1024x768xf32>
    %dot_general3A_96 = tpu.matmul %convert_element_type3A_94, %get3A_93, %dot_general3A_95 {dimension_numbers = #tpu.dot_dimension_numbers<[1], [0], [0], [1], [0, 0, 1, 1], [], []>, transpose_lhs_hint = false} : vector<1024x768xbf16>, vector<768x768xbf16>, vector<1024x768xf32> -> vector<1024x768xf32>
    %get3A_97 = arith.constant 0 : index
    %get3A_98 = arith.constant 0 : index
    %get3A_99 = vector.load %arg15[%get3A_97, %get3A_98] : memref<1x768xf32, #tpu.memory_space<vmem>>, vector<1x768xf32>
    %add3A_100 = vector.broadcast %get3A_99 : vector<1x768xf32> to vector<1024x768xf32>
    %add3A_101 = arith.addf %dot_general3A_96, %add3A_100 : vector<1024x768xf32>
    %get3A_102 = arith.constant 0 : index
    %get3A_103 = arith.constant 0 : index
    %get3A_104 = vector.load %arg16[%get3A_102, %get3A_103] : memref<768x128xf32, #tpu.memory_space<vmem>>, vector<768x128xf32>
    %dot_general3A_105 = arith.constant dense<0.000000e+00> : vector<1024x128xf32>
    %dot_general3A_106 = tpu.matmul %add3A_101, %get3A_104, %dot_general3A_105 {dimension_numbers = #tpu.dot_dimension_numbers<[1], [0], [0], [1], [0, 0, 1, 1], [], []>, transpose_lhs_hint = false} : vector<1024x768xf32>, vector<768x128xf32>, vector<1024x128xf32> -> vector<1024x128xf32>
    %get3A_107 = arith.constant 0 : index
    %get3A_108 = arith.constant 0 : index
    %get3A_109 = vector.load %arg17[%get3A_107, %get3A_108] : memref<1x128xf32, #tpu.memory_space<vmem>>, vector<1x128xf32>
    %add3A_110 = vector.broadcast %get3A_109 : vector<1x128xf32> to vector<1024x128xf32>
    %add3A_111 = arith.addf %dot_general3A_106, %add3A_110 : vector<1024x128xf32>
    %get3A_112 = arith.constant 0 : index
    %get3A_113 = arith.constant 0 : index
    %get3A_114 = vector.load %arg5[%get3A_112, %get3A_113] : memref<1024x128xf32, #tpu.memory_space<vmem>>, vector<1024x128xf32>
    %add3A_115 = arith.addf %add3A_111, %get3A_114 : vector<1024x128xf32>
    %lt3A_116 = arith.constant 4 : i32
    %lt3A_117 = vector.broadcast %lt3A_116 : i32 to vector<1024x128xi32>
    %lt3A_118 = arith.cmpi slt, %iota3A, %lt3A_117 : vector<1024x128xi32>
    %jit3A_119 = arith.constant -1.000000e+30 : f32
    %broadcast_in_dim3A_120 = vector.broadcast %jit3A_119 : f32 to vector<1024x128xf32>
    %select_n3A_121 = arith.select %lt3A_118, %add3A_115, %broadcast_in_dim3A_120 : vector<1024x128xi1>, vector<1024x128xf32>
    %slice3A_122 = vector.extract_strided_slice %select_n3A_121 {offsets = [0, 0], sizes = [1024, 1], strides = [1, 1]} : vector<1024x128xf32> to vector<1024x1xf32>
    %reduce_max3A_123 = arith.constant dense<0xFF800000> : vector<1024xf32>
    %reduce_max3A_124 = vector.multi_reduction <maximumf>, %select_n3A_121, %reduce_max3A_123 [1] : vector<1024x128xf32> to vector<1024xf32>
    %broadcast_in_dim3A_125 = vector.shape_cast %reduce_max3A_124 : vector<1024xf32> to vector<1024x1xf32>
    %eq3A_126 = vector.broadcast %broadcast_in_dim3A_125 : vector<1024x1xf32> to vector<1024x128xf32>
    %eq3A_127 = arith.cmpf oeq, %select_n3A_121, %eq3A_126 : vector<1024x128xf32>
    %jit3A_128 = arith.constant 128 : i32
    %broadcast_in_dim3A_129 = vector.broadcast %jit3A_128 : i32 to vector<1024x128xi32>
    %select_n3A_130 = arith.select %eq3A_127, %iota3A, %broadcast_in_dim3A_129 : vector<1024x128xi1>, vector<1024x128xi32>
    %reduce_min3A = arith.constant dense<2147483647> : vector<1024xi32>
    %reduce_min3A_131 = vector.multi_reduction <minsi>, %select_n3A_130, %reduce_min3A [1] : vector<1024x128xi32> to vector<1024xi32>
    %broadcast_in_dim3A_132 = vector.shape_cast %reduce_min3A_131 : vector<1024xi32> to vector<1024x1xi32>
    %eq3A_133 = vector.broadcast %broadcast_in_dim3A_132 : vector<1024x1xi32> to vector<1024x128xi32>
    %eq3A_134 = arith.cmpi eq, %iota3A, %eq3A_133 : vector<1024x128xi32>
    %jit3A_135 = arith.constant -1.000000e+30 : f32
    %broadcast_in_dim3A_136 = vector.broadcast %jit3A_135 : f32 to vector<1024x128xf32>
    %select_n3A_137 = arith.select %eq3A_134, %broadcast_in_dim3A_136, %select_n3A_121 : vector<1024x128xi1>, vector<1024x128xf32>
    %reduce_max3A_138 = arith.constant dense<0xFF800000> : vector<1024xf32>
    %reduce_max3A_139 = vector.multi_reduction <maximumf>, %select_n3A_137, %reduce_max3A_138 [1] : vector<1024x128xf32> to vector<1024xf32>
    %broadcast_in_dim3A_140 = vector.shape_cast %reduce_max3A_139 : vector<1024xf32> to vector<1024x1xf32>
    %gt3A = vector.broadcast %slice3A_122 : vector<1024x1xf32> to vector<1024x128xf32>
    %gt3A_141 = arith.cmpf ogt, %select_n3A_121, %gt3A : vector<1024x128xf32>
    %jit3A_142 = arith.constant 1.000000e+00 : f32
    %jit3A_143 = arith.constant 0.000000e+00 : f32
    %broadcast_in_dim3A_144 = vector.broadcast %jit3A_142 : f32 to vector<1024x128xf32>
    %broadcast_in_dim3A_145 = vector.broadcast %jit3A_143 : f32 to vector<1024x128xf32>
    %select_n3A_146 = arith.select %gt3A_141, %broadcast_in_dim3A_144, %broadcast_in_dim3A_145 : vector<1024x128xi1>, vector<1024x128xf32>
    %reduce_sum3A_147 = arith.constant dense<0.000000e+00> : vector<1024xf32>
    %reduce_sum3A_148 = vector.multi_reduction <add>, %select_n3A_146, %reduce_sum3A_147 [1] : vector<1024x128xf32> to vector<1024xf32>
    %broadcast_in_dim3A_149 = vector.shape_cast %reduce_sum3A_148 : vector<1024xf32> to vector<1024x1xf32>
    %le3A = arith.constant 1.500000e+00 : f32
    %le3A_150 = vector.broadcast %le3A : f32 to vector<1024x1xf32>
    %le3A_151 = arith.cmpf ole, %broadcast_in_dim3A_149, %le3A_150 : vector<1024x1xf32>
    %sub3A_152 = arith.subf %slice3A_122, %broadcast_in_dim3A_125 : vector<1024x1xf32>
    %exp3A_153 = math.exp %sub3A_152 : vector<1024x1xf32>
    %sub3A_154 = arith.subf %broadcast_in_dim3A_140, %broadcast_in_dim3A_125 : vector<1024x1xf32>
    %exp3A_155 = math.exp %sub3A_154 : vector<1024x1xf32>
    %add3A_156 = arith.constant 1.000000e+00 : f32
    %add3A_157 = vector.broadcast %add3A_156 : f32 to vector<1024x1xf32>
    %add3A_158 = arith.addf %add3A_157, %exp3A_155 : vector<1024x1xf32>
    %div3A_159 = arith.divf %exp3A_153, %add3A_158 : vector<1024x1xf32>
    %jit3A_160 = arith.constant 0.000000e+00 : f32
    %broadcast_in_dim3A_161 = vector.broadcast %jit3A_160 : f32 to vector<1024x1xf32>
    %select_n3A_162 = arith.select %le3A_151, %div3A_159, %broadcast_in_dim3A_161 : vector<1024x1xi1>, vector<1024x1xf32>
    %convert_element_type3A_163 = arith.truncf %add3A_101 : vector<1024x768xf32> to vector<1024x768xbf16>
    %get3A_164 = arith.constant 0 : index
    %get3A_165 = arith.constant 0 : index
    %get3A_166 = vector.load %arg21[%get3A_164, %get3A_165] : memref<1x768xf32, #tpu.memory_space<vmem>>, vector<1x768xf32>
    %get3A_167 = arith.constant 0 : index
    %get3A_168 = arith.constant 0 : index
    %get3A_169 = arith.constant 0 : index
    %get3A_170 = vector.load %arg18[%get3A_167, %get3A_168, %get3A_169] : memref<4x768x128xbf16, #tpu.memory_space<vmem>>, vector<1x768x128xbf16>
    %get3A_171 = vector.shape_cast %get3A_170 : vector<1x768x128xbf16> to vector<768x128xbf16>
    %dot_general3A_172 = arith.constant dense<0.000000e+00> : vector<1024x128xf32>
    %dot_general3A_173 = tpu.matmul %convert_element_type3A_163, %get3A_171, %dot_general3A_172 {dimension_numbers = #tpu.dot_dimension_numbers<[1], [0], [0], [1], [0, 0, 1, 1], [], []>, transpose_lhs_hint = false} : vector<1024x768xbf16>, vector<768x128xbf16>, vector<1024x128xf32> -> vector<1024x128xf32>
    %get3A_174 = arith.constant 0 : index
    %get3A_175 = arith.constant 0 : index
    %get3A_176 = vector.load %arg19[%get3A_174, %get3A_175] : memref<4x128xf32, #tpu.memory_space<vmem>>, vector<1x128xf32>
    %add3A_177 = vector.broadcast %get3A_176 : vector<1x128xf32> to vector<1024x128xf32>
    %add3A_178 = arith.addf %dot_general3A_173, %add3A_177 : vector<1024x128xf32>
    %max3A_179 = arith.constant 0.000000e+00 : f32
    %max3A_180 = vector.broadcast %max3A_179 : f32 to vector<1024x128xf32>
    %max3A_181 = arith.maximumf %add3A_178, %max3A_180 : vector<1024x128xf32>
    %convert_element_type3A_182 = arith.truncf %max3A_181 : vector<1024x128xf32> to vector<1024x128xbf16>
    %get3A_183 = arith.constant 0 : index
    %get3A_184 = arith.constant 0 : index
    %get3A_185 = arith.constant 0 : index
    %get3A_186 = vector.load %arg20[%get3A_183, %get3A_184, %get3A_185] : memref<4x128x768xbf16, #tpu.memory_space<vmem>>, vector<1x128x768xbf16>
    %get3A_187 = vector.shape_cast %get3A_186 : vector<1x128x768xbf16> to vector<128x768xbf16>
    %dot_general3A_188 = arith.constant dense<0.000000e+00> : vector<1024x768xf32>
    %dot_general3A_189 = tpu.matmul %convert_element_type3A_182, %get3A_187, %dot_general3A_188 {dimension_numbers = #tpu.dot_dimension_numbers<[1], [0], [0], [1], [0, 0, 1, 1], [], []>, transpose_lhs_hint = false} : vector<1024x128xbf16>, vector<128x768xbf16>, vector<1024x768xf32> -> vector<1024x768xf32>
    %add3A_190 = vector.broadcast %get3A_166 : vector<1x768xf32> to vector<1024x768xf32>
    %add3A_191 = arith.addf %add3A_190, %dot_general3A_189 : vector<1024x768xf32>
    %get3A_192 = arith.constant 1 : index
    %get3A_193 = arith.constant 0 : index
    %get3A_194 = arith.constant 0 : index
    %get3A_195 = vector.load %arg18[%get3A_192, %get3A_193, %get3A_194] : memref<4x768x128xbf16, #tpu.memory_space<vmem>>, vector<1x768x128xbf16>
    %get3A_196 = vector.shape_cast %get3A_195 : vector<1x768x128xbf16> to vector<768x128xbf16>
    %dot_general3A_197 = arith.constant dense<0.000000e+00> : vector<1024x128xf32>
    %dot_general3A_198 = tpu.matmul %convert_element_type3A_163, %get3A_196, %dot_general3A_197 {dimension_numbers = #tpu.dot_dimension_numbers<[1], [0], [0], [1], [0, 0, 1, 1], [], []>, transpose_lhs_hint = false} : vector<1024x768xbf16>, vector<768x128xbf16>, vector<1024x128xf32> -> vector<1024x128xf32>
    %get3A_199 = arith.constant 1 : index
    %get3A_200 = arith.constant 0 : index
    %get3A_201 = vector.load %arg19[%get3A_199, %get3A_200] : memref<4x128xf32, #tpu.memory_space<vmem>>, vector<1x128xf32>
    %add3A_202 = vector.broadcast %get3A_201 : vector<1x128xf32> to vector<1024x128xf32>
    %add3A_203 = arith.addf %dot_general3A_198, %add3A_202 : vector<1024x128xf32>
    %max3A_204 = arith.constant 0.000000e+00 : f32
    %max3A_205 = vector.broadcast %max3A_204 : f32 to vector<1024x128xf32>
    %max3A_206 = arith.maximumf %add3A_203, %max3A_205 : vector<1024x128xf32>
    %convert_element_type3A_207 = arith.truncf %max3A_206 : vector<1024x128xf32> to vector<1024x128xbf16>
    %get3A_208 = arith.constant 1 : index
    %get3A_209 = arith.constant 0 : index
    %get3A_210 = arith.constant 0 : index
    %get3A_211 = vector.load %arg20[%get3A_208, %get3A_209, %get3A_210] : memref<4x128x768xbf16, #tpu.memory_space<vmem>>, vector<1x128x768xbf16>
    %get3A_212 = vector.shape_cast %get3A_211 : vector<1x128x768xbf16> to vector<128x768xbf16>
    %dot_general3A_213 = arith.constant dense<0.000000e+00> : vector<1024x768xf32>
    %dot_general3A_214 = tpu.matmul %convert_element_type3A_207, %get3A_212, %dot_general3A_213 {dimension_numbers = #tpu.dot_dimension_numbers<[1], [0], [0], [1], [0, 0, 1, 1], [], []>, transpose_lhs_hint = false} : vector<1024x128xbf16>, vector<128x768xbf16>, vector<1024x768xf32> -> vector<1024x768xf32>
    %add3A_215 = arith.addf %add3A_191, %dot_general3A_214 : vector<1024x768xf32>
    %get3A_216 = arith.constant 2 : index
    %get3A_217 = arith.constant 0 : index
    %get3A_218 = arith.constant 0 : index
    %get3A_219 = vector.load %arg18[%get3A_216, %get3A_217, %get3A_218] : memref<4x768x128xbf16, #tpu.memory_space<vmem>>, vector<1x768x128xbf16>
    %get3A_220 = vector.shape_cast %get3A_219 : vector<1x768x128xbf16> to vector<768x128xbf16>
    %dot_general3A_221 = arith.constant dense<0.000000e+00> : vector<1024x128xf32>
    %dot_general3A_222 = tpu.matmul %convert_element_type3A_163, %get3A_220, %dot_general3A_221 {dimension_numbers = #tpu.dot_dimension_numbers<[1], [0], [0], [1], [0, 0, 1, 1], [], []>, transpose_lhs_hint = false} : vector<1024x768xbf16>, vector<768x128xbf16>, vector<1024x128xf32> -> vector<1024x128xf32>
    %get3A_223 = arith.constant 2 : index
    %get3A_224 = arith.constant 0 : index
    %get3A_225 = vector.load %arg19[%get3A_223, %get3A_224] : memref<4x128xf32, #tpu.memory_space<vmem>>, vector<1x128xf32>
    %add3A_226 = vector.broadcast %get3A_225 : vector<1x128xf32> to vector<1024x128xf32>
    %add3A_227 = arith.addf %dot_general3A_222, %add3A_226 : vector<1024x128xf32>
    %max3A_228 = arith.constant 0.000000e+00 : f32
    %max3A_229 = vector.broadcast %max3A_228 : f32 to vector<1024x128xf32>
    %max3A_230 = arith.maximumf %add3A_227, %max3A_229 : vector<1024x128xf32>
    %convert_element_type3A_231 = arith.truncf %max3A_230 : vector<1024x128xf32> to vector<1024x128xbf16>
    %get3A_232 = arith.constant 2 : index
    %get3A_233 = arith.constant 0 : index
    %get3A_234 = arith.constant 0 : index
    %get3A_235 = vector.load %arg20[%get3A_232, %get3A_233, %get3A_234] : memref<4x128x768xbf16, #tpu.memory_space<vmem>>, vector<1x128x768xbf16>
    %get3A_236 = vector.shape_cast %get3A_235 : vector<1x128x768xbf16> to vector<128x768xbf16>
    %dot_general3A_237 = arith.constant dense<0.000000e+00> : vector<1024x768xf32>
    %dot_general3A_238 = tpu.matmul %convert_element_type3A_231, %get3A_236, %dot_general3A_237 {dimension_numbers = #tpu.dot_dimension_numbers<[1], [0], [0], [1], [0, 0, 1, 1], [], []>, transpose_lhs_hint = false} : vector<1024x128xbf16>, vector<128x768xbf16>, vector<1024x768xf32> -> vector<1024x768xf32>
    %add3A_239 = arith.addf %add3A_215, %dot_general3A_238 : vector<1024x768xf32>
    %get3A_240 = arith.constant 3 : index
    %get3A_241 = arith.constant 0 : index
    %get3A_242 = arith.constant 0 : index
    %get3A_243 = vector.load %arg18[%get3A_240, %get3A_241, %get3A_242] : memref<4x768x128xbf16, #tpu.memory_space<vmem>>, vector<1x768x128xbf16>
    %get3A_244 = vector.shape_cast %get3A_243 : vector<1x768x128xbf16> to vector<768x128xbf16>
    %dot_general3A_245 = arith.constant dense<0.000000e+00> : vector<1024x128xf32>
    %dot_general3A_246 = tpu.matmul %convert_element_type3A_163, %get3A_244, %dot_general3A_245 {dimension_numbers = #tpu.dot_dimension_numbers<[1], [0], [0], [1], [0, 0, 1, 1], [], []>, transpose_lhs_hint = false} : vector<1024x768xbf16>, vector<768x128xbf16>, vector<1024x128xf32> -> vector<1024x128xf32>
    %get3A_247 = arith.constant 3 : index
    %get3A_248 = arith.constant 0 : index
    %get3A_249 = vector.load %arg19[%get3A_247, %get3A_248] : memref<4x128xf32, #tpu.memory_space<vmem>>, vector<1x128xf32>
    %add3A_250 = vector.broadcast %get3A_249 : vector<1x128xf32> to vector<1024x128xf32>
    %add3A_251 = arith.addf %dot_general3A_246, %add3A_250 : vector<1024x128xf32>
    %max3A_252 = arith.constant 0.000000e+00 : f32
    %max3A_253 = vector.broadcast %max3A_252 : f32 to vector<1024x128xf32>
    %max3A_254 = arith.maximumf %add3A_251, %max3A_253 : vector<1024x128xf32>
    %convert_element_type3A_255 = arith.truncf %max3A_254 : vector<1024x128xf32> to vector<1024x128xbf16>
    %get3A_256 = arith.constant 3 : index
    %get3A_257 = arith.constant 0 : index
    %get3A_258 = arith.constant 0 : index
    %get3A_259 = vector.load %arg20[%get3A_256, %get3A_257, %get3A_258] : memref<4x128x768xbf16, #tpu.memory_space<vmem>>, vector<1x128x768xbf16>
    %get3A_260 = vector.shape_cast %get3A_259 : vector<1x128x768xbf16> to vector<128x768xbf16>
    %dot_general3A_261 = arith.constant dense<0.000000e+00> : vector<1024x768xf32>
    %dot_general3A_262 = tpu.matmul %convert_element_type3A_255, %get3A_260, %dot_general3A_261 {dimension_numbers = #tpu.dot_dimension_numbers<[1], [0], [0], [1], [0, 0, 1, 1], [], []>, transpose_lhs_hint = false} : vector<1024x128xbf16>, vector<128x768xbf16>, vector<1024x768xf32> -> vector<1024x768xf32>
    %add3A_263 = arith.addf %add3A_239, %dot_general3A_262 : vector<1024x768xf32>
    %mul3A_264 = vector.broadcast %select_n3A_162 : vector<1024x1xf32> to vector<1024x768xf32>
    %mul3A_265 = arith.mulf %mul3A_264, %add3A_263 : vector<1024x768xf32>
    %get3A_266 = arith.constant 0 : index
    %get3A_267 = arith.constant 0 : index
    %get3A_268 = vector.load %arg22[%get3A_266, %get3A_267] : memref<1x768xf32, #tpu.memory_space<vmem>>, vector<1x768xf32>
    %get3A_269 = arith.constant 0 : index
    %get3A_270 = arith.constant 0 : index
    %get3A_271 = vector.load %arg23[%get3A_269, %get3A_270] : memref<1x768xf32, #tpu.memory_space<vmem>>, vector<1x768xf32>
    %broadcast_in_dim3A_272 = arith.constant 1.000000e+00 : bf16
    %broadcast_in_dim3A_273 = vector.broadcast %broadcast_in_dim3A_272 : bf16 to vector<768x1xbf16>
    %add3A_274 = arith.addf %mul3A_265, %mul3A_79 : vector<1024x768xf32>
    %convert_element_type3A_275 = arith.truncf %add3A_274 : vector<1024x768xf32> to vector<1024x768xbf16>
    %dot_general3A_276 = arith.constant dense<0.000000e+00> : vector<1024x1xf32>
    %dot_general3A_277 = tpu.matmul %convert_element_type3A_275, %broadcast_in_dim3A_273, %dot_general3A_276 {dimension_numbers = #tpu.dot_dimension_numbers<[1], [0], [0], [1], [0, 0, 1, 1], [], []>, transpose_lhs_hint = false} : vector<1024x768xbf16>, vector<768x1xbf16>, vector<1024x1xf32> -> vector<1024x1xf32>
    %mul3A_278 = arith.constant 0.00130208337 : f32
    %mul3A_279 = vector.broadcast %mul3A_278 : f32 to vector<1024x1xf32>
    %mul3A_280 = arith.mulf %dot_general3A_277, %mul3A_279 : vector<1024x1xf32>
    %mul3A_281 = arith.mulf %convert_element_type3A_275, %convert_element_type3A_275 : vector<1024x768xbf16>
    %dot_general3A_282 = arith.constant dense<0.000000e+00> : vector<1024x1xf32>
    %dot_general3A_283 = tpu.matmul %mul3A_281, %broadcast_in_dim3A_273, %dot_general3A_282 {dimension_numbers = #tpu.dot_dimension_numbers<[1], [0], [0], [1], [0, 0, 1, 1], [], []>, transpose_lhs_hint = false} : vector<1024x768xbf16>, vector<768x1xbf16>, vector<1024x1xf32> -> vector<1024x1xf32>
    %mul3A_284 = arith.constant 0.00130208337 : f32
    %mul3A_285 = vector.broadcast %mul3A_284 : f32 to vector<1024x1xf32>
    %mul3A_286 = arith.mulf %dot_general3A_283, %mul3A_285 : vector<1024x1xf32>
    %mul3A_287 = arith.mulf %mul3A_280, %mul3A_280 : vector<1024x1xf32>
    %sub3A_288 = arith.subf %mul3A_286, %mul3A_287 : vector<1024x1xf32>
    %sub3A_289 = vector.broadcast %mul3A_280 : vector<1024x1xf32> to vector<1024x768xf32>
    %sub3A_290 = arith.subf %add3A_274, %sub3A_289 : vector<1024x768xf32>
    %mul3A_291 = vector.broadcast %get3A_268 : vector<1x768xf32> to vector<1024x768xf32>
    %mul3A_292 = arith.mulf %mul3A_291, %sub3A_290 : vector<1024x768xf32>
    %add3A_293 = arith.constant 9.99999974E-6 : f32
    %add3A_294 = vector.broadcast %add3A_293 : f32 to vector<1024x1xf32>
    %add3A_295 = arith.addf %sub3A_288, %add3A_294 : vector<1024x1xf32>
    %rsqrt3A = math.rsqrt %add3A_295 : vector<1024x1xf32>
    %mul3A_296 = vector.broadcast %rsqrt3A : vector<1024x1xf32> to vector<1024x768xf32>
    %mul3A_297 = arith.mulf %mul3A_292, %mul3A_296 : vector<1024x768xf32>
    %add3A_298 = vector.broadcast %get3A_271 : vector<1x768xf32> to vector<1024x768xf32>
    %add3A_299 = arith.addf %mul3A_297, %add3A_298 : vector<1024x768xf32>
    %get3A_300 = arith.constant 0 : index
    %get3A_301 = arith.constant 0 : index
    %get3A_302 = vector.load %arg24[%get3A_300, %get3A_301] : memref<768x512xbf16, #tpu.memory_space<vmem>>, vector<768x512xbf16>
    %convert_element_type3A_303 = arith.truncf %add3A_299 : vector<1024x768xf32> to vector<1024x768xbf16>
    %dot_general3A_304 = arith.constant dense<0.000000e+00> : vector<1024x512xf32>
    %dot_general3A_305 = tpu.matmul %convert_element_type3A_303, %get3A_302, %dot_general3A_304 {dimension_numbers = #tpu.dot_dimension_numbers<[1], [0], [0], [1], [0, 0, 1, 1], [], []>, transpose_lhs_hint = false} : vector<1024x768xbf16>, vector<768x512xbf16>, vector<1024x512xf32> -> vector<1024x512xf32>
    %get3A_306 = arith.constant 0 : index
    %get3A_307 = arith.constant 0 : index
    %get3A_308 = vector.load %arg25[%get3A_306, %get3A_307] : memref<1x512xf32, #tpu.memory_space<vmem>>, vector<1x512xf32>
    %add3A_309 = vector.broadcast %get3A_308 : vector<1x512xf32> to vector<1024x512xf32>
    %add3A_310 = arith.addf %dot_general3A_305, %add3A_309 : vector<1024x512xf32>
    %max3A_311 = arith.constant 0.000000e+00 : f32
    %max3A_312 = vector.broadcast %max3A_311 : f32 to vector<1024x512xf32>
    %max3A_313 = arith.maximumf %add3A_310, %max3A_312 : vector<1024x512xf32>
    %get3A_314 = arith.constant 0 : index
    %get3A_315 = arith.constant 0 : index
    %get3A_316 = vector.load %arg26[%get3A_314, %get3A_315] : memref<512x768xbf16, #tpu.memory_space<vmem>>, vector<512x768xbf16>
    %convert_element_type3A_317 = arith.truncf %max3A_313 : vector<1024x512xf32> to vector<1024x512xbf16>
    %dot_general3A_318 = arith.constant dense<0.000000e+00> : vector<1024x768xf32>
    %dot_general3A_319 = tpu.matmul %convert_element_type3A_317, %get3A_316, %dot_general3A_318 {dimension_numbers = #tpu.dot_dimension_numbers<[1], [0], [0], [1], [0, 0, 1, 1], [], []>, transpose_lhs_hint = false} : vector<1024x512xbf16>, vector<512x768xbf16>, vector<1024x768xf32> -> vector<1024x768xf32>
    %get3A_320 = arith.constant 0 : index
    %get3A_321 = arith.constant 0 : index
    %get3A_322 = vector.load %arg27[%get3A_320, %get3A_321] : memref<1x768xf32, #tpu.memory_space<vmem>>, vector<1x768xf32>
    %add3A_323 = vector.broadcast %get3A_322 : vector<1x768xf32> to vector<1024x768xf32>
    %add3A_324 = arith.addf %dot_general3A_319, %add3A_323 : vector<1024x768xf32>
    %add3A_325 = arith.addf %add3A_324, %add3A_299 : vector<1024x768xf32>
    %convert_element_type3A_326 = arith.truncf %add3A_325 : vector<1024x768xf32> to vector<1024x768xbf16>
    %dot_general3A_327 = arith.constant dense<0.000000e+00> : vector<1024x1xf32>
    %dot_general3A_328 = tpu.matmul %convert_element_type3A_326, %broadcast_in_dim3A_273, %dot_general3A_327 {dimension_numbers = #tpu.dot_dimension_numbers<[1], [0], [0], [1], [0, 0, 1, 1], [], []>, transpose_lhs_hint = false} : vector<1024x768xbf16>, vector<768x1xbf16>, vector<1024x1xf32> -> vector<1024x1xf32>
    %mul3A_329 = arith.constant 0.00130208337 : f32
    %mul3A_330 = vector.broadcast %mul3A_329 : f32 to vector<1024x1xf32>
    %mul3A_331 = arith.mulf %dot_general3A_328, %mul3A_330 : vector<1024x1xf32>
    %mul3A_332 = arith.mulf %convert_element_type3A_326, %convert_element_type3A_326 : vector<1024x768xbf16>
    %dot_general3A_333 = arith.constant dense<0.000000e+00> : vector<1024x1xf32>
    %dot_general3A_334 = tpu.matmul %mul3A_332, %broadcast_in_dim3A_273, %dot_general3A_333 {dimension_numbers = #tpu.dot_dimension_numbers<[1], [0], [0], [1], [0, 0, 1, 1], [], []>, transpose_lhs_hint = false} : vector<1024x768xbf16>, vector<768x1xbf16>, vector<1024x1xf32> -> vector<1024x1xf32>
    %mul3A_335 = arith.constant 0.00130208337 : f32
    %mul3A_336 = vector.broadcast %mul3A_335 : f32 to vector<1024x1xf32>
    %mul3A_337 = arith.mulf %dot_general3A_334, %mul3A_336 : vector<1024x1xf32>
    %mul3A_338 = arith.mulf %mul3A_331, %mul3A_331 : vector<1024x1xf32>
    %sub3A_339 = arith.subf %mul3A_337, %mul3A_338 : vector<1024x1xf32>
    %sub3A_340 = vector.broadcast %mul3A_331 : vector<1024x1xf32> to vector<1024x768xf32>
    %sub3A_341 = arith.subf %add3A_325, %sub3A_340 : vector<1024x768xf32>
    %mul3A_342 = vector.broadcast %get3A_268 : vector<1x768xf32> to vector<1024x768xf32>
    %mul3A_343 = arith.mulf %mul3A_342, %sub3A_341 : vector<1024x768xf32>
    %add3A_344 = arith.constant 9.99999974E-6 : f32
    %add3A_345 = vector.broadcast %add3A_344 : f32 to vector<1024x1xf32>
    %add3A_346 = arith.addf %sub3A_339, %add3A_345 : vector<1024x1xf32>
    %rsqrt3A_347 = math.rsqrt %add3A_346 : vector<1024x1xf32>
    %mul3A_348 = vector.broadcast %rsqrt3A_347 : vector<1024x1xf32> to vector<1024x768xf32>
    %mul3A_349 = arith.mulf %mul3A_343, %mul3A_348 : vector<1024x768xf32>
    %add3A_350 = vector.broadcast %get3A_271 : vector<1x768xf32> to vector<1024x768xf32>
    %add3A_351 = arith.addf %mul3A_349, %add3A_350 : vector<1024x768xf32>
    %add3A_352 = arith.addf %mul3A_265, %add3A_351 : vector<1024x768xf32>
    %convert_element_type3A_353 = arith.truncf %add3A_352 : vector<1024x768xf32> to vector<1024x768xbf16>
    %dot_general3A_354 = arith.constant dense<0.000000e+00> : vector<1024x1xf32>
    %dot_general3A_355 = tpu.matmul %convert_element_type3A_353, %broadcast_in_dim3A_273, %dot_general3A_354 {dimension_numbers = #tpu.dot_dimension_numbers<[1], [0], [0], [1], [0, 0, 1, 1], [], []>, transpose_lhs_hint = false} : vector<1024x768xbf16>, vector<768x1xbf16>, vector<1024x1xf32> -> vector<1024x1xf32>
    %mul3A_356 = arith.constant 0.00130208337 : f32
    %mul3A_357 = vector.broadcast %mul3A_356 : f32 to vector<1024x1xf32>
    %mul3A_358 = arith.mulf %dot_general3A_355, %mul3A_357 : vector<1024x1xf32>
    %mul3A_359 = arith.mulf %convert_element_type3A_353, %convert_element_type3A_353 : vector<1024x768xbf16>
    %dot_general3A_360 = arith.constant dense<0.000000e+00> : vector<1024x1xf32>
    %dot_general3A_361 = tpu.matmul %mul3A_359, %broadcast_in_dim3A_273, %dot_general3A_360 {dimension_numbers = #tpu.dot_dimension_numbers<[1], [0], [0], [1], [0, 0, 1, 1], [], []>, transpose_lhs_hint = false} : vector<1024x768xbf16>, vector<768x1xbf16>, vector<1024x1xf32> -> vector<1024x1xf32>
    %mul3A_362 = arith.constant 0.00130208337 : f32
    %mul3A_363 = vector.broadcast %mul3A_362 : f32 to vector<1024x1xf32>
    %mul3A_364 = arith.mulf %dot_general3A_361, %mul3A_363 : vector<1024x1xf32>
    %mul3A_365 = arith.mulf %mul3A_358, %mul3A_358 : vector<1024x1xf32>
    %sub3A_366 = arith.subf %mul3A_364, %mul3A_365 : vector<1024x1xf32>
    %sub3A_367 = vector.broadcast %mul3A_358 : vector<1024x1xf32> to vector<1024x768xf32>
    %sub3A_368 = arith.subf %add3A_352, %sub3A_367 : vector<1024x768xf32>
    %mul3A_369 = vector.broadcast %get3A_268 : vector<1x768xf32> to vector<1024x768xf32>
    %mul3A_370 = arith.mulf %mul3A_369, %sub3A_368 : vector<1024x768xf32>
    %add3A_371 = arith.constant 9.99999974E-6 : f32
    %add3A_372 = vector.broadcast %add3A_371 : f32 to vector<1024x1xf32>
    %add3A_373 = arith.addf %sub3A_366, %add3A_372 : vector<1024x1xf32>
    %rsqrt3A_374 = math.rsqrt %add3A_373 : vector<1024x1xf32>
    %mul3A_375 = vector.broadcast %rsqrt3A_374 : vector<1024x1xf32> to vector<1024x768xf32>
    %mul3A_376 = arith.mulf %mul3A_370, %mul3A_375 : vector<1024x768xf32>
    %add3A_377 = vector.broadcast %get3A_271 : vector<1x768xf32> to vector<1024x768xf32>
    %add3A_378 = arith.addf %mul3A_376, %add3A_377 : vector<1024x768xf32>
    %get3A_379 = arith.constant 0 : index
    %get3A_380 = arith.constant 0 : index
    %get3A_381 = vector.load %arg24[%get3A_379, %get3A_380] : memref<768x512xbf16, #tpu.memory_space<vmem>>, vector<768x512xbf16>
    %convert_element_type3A_382 = arith.truncf %add3A_378 : vector<1024x768xf32> to vector<1024x768xbf16>
    %dot_general3A_383 = arith.constant dense<0.000000e+00> : vector<1024x512xf32>
    %dot_general3A_384 = tpu.matmul %convert_element_type3A_382, %get3A_381, %dot_general3A_383 {dimension_numbers = #tpu.dot_dimension_numbers<[1], [0], [0], [1], [0, 0, 1, 1], [], []>, transpose_lhs_hint = false} : vector<1024x768xbf16>, vector<768x512xbf16>, vector<1024x512xf32> -> vector<1024x512xf32>
    %get3A_385 = arith.constant 0 : index
    %get3A_386 = arith.constant 0 : index
    %get3A_387 = vector.load %arg25[%get3A_385, %get3A_386] : memref<1x512xf32, #tpu.memory_space<vmem>>, vector<1x512xf32>
    %add3A_388 = vector.broadcast %get3A_387 : vector<1x512xf32> to vector<1024x512xf32>
    %add3A_389 = arith.addf %dot_general3A_384, %add3A_388 : vector<1024x512xf32>
    %max3A_390 = arith.constant 0.000000e+00 : f32
    %max3A_391 = vector.broadcast %max3A_390 : f32 to vector<1024x512xf32>
    %max3A_392 = arith.maximumf %add3A_389, %max3A_391 : vector<1024x512xf32>
    %get3A_393 = arith.constant 0 : index
    %get3A_394 = arith.constant 0 : index
    %get3A_395 = vector.load %arg26[%get3A_393, %get3A_394] : memref<512x768xbf16, #tpu.memory_space<vmem>>, vector<512x768xbf16>
    %convert_element_type3A_396 = arith.truncf %max3A_392 : vector<1024x512xf32> to vector<1024x512xbf16>
    %dot_general3A_397 = arith.constant dense<0.000000e+00> : vector<1024x768xf32>
    %dot_general3A_398 = tpu.matmul %convert_element_type3A_396, %get3A_395, %dot_general3A_397 {dimension_numbers = #tpu.dot_dimension_numbers<[1], [0], [0], [1], [0, 0, 1, 1], [], []>, transpose_lhs_hint = false} : vector<1024x512xbf16>, vector<512x768xbf16>, vector<1024x768xf32> -> vector<1024x768xf32>
    %get3A_399 = arith.constant 0 : index
    %get3A_400 = arith.constant 0 : index
    %get3A_401 = vector.load %arg27[%get3A_399, %get3A_400] : memref<1x768xf32, #tpu.memory_space<vmem>>, vector<1x768xf32>
    %add3A_402 = vector.broadcast %get3A_401 : vector<1x768xf32> to vector<1024x768xf32>
    %add3A_403 = arith.addf %dot_general3A_398, %add3A_402 : vector<1024x768xf32>
    %add3A_404 = arith.addf %add3A_403, %add3A_378 : vector<1024x768xf32>
    %convert_element_type3A_405 = arith.truncf %add3A_404 : vector<1024x768xf32> to vector<1024x768xbf16>
    %dot_general3A_406 = arith.constant dense<0.000000e+00> : vector<1024x1xf32>
    %dot_general3A_407 = tpu.matmul %convert_element_type3A_405, %broadcast_in_dim3A_273, %dot_general3A_406 {dimension_numbers = #tpu.dot_dimension_numbers<[1], [0], [0], [1], [0, 0, 1, 1], [], []>, transpose_lhs_hint = false} : vector<1024x768xbf16>, vector<768x1xbf16>, vector<1024x1xf32> -> vector<1024x1xf32>
    %mul3A_408 = arith.constant 0.00130208337 : f32
    %mul3A_409 = vector.broadcast %mul3A_408 : f32 to vector<1024x1xf32>
    %mul3A_410 = arith.mulf %dot_general3A_407, %mul3A_409 : vector<1024x1xf32>
    %mul3A_411 = arith.mulf %convert_element_type3A_405, %convert_element_type3A_405 : vector<1024x768xbf16>
    %dot_general3A_412 = arith.constant dense<0.000000e+00> : vector<1024x1xf32>
    %dot_general3A_413 = tpu.matmul %mul3A_411, %broadcast_in_dim3A_273, %dot_general3A_412 {dimension_numbers = #tpu.dot_dimension_numbers<[1], [0], [0], [1], [0, 0, 1, 1], [], []>, transpose_lhs_hint = false} : vector<1024x768xbf16>, vector<768x1xbf16>, vector<1024x1xf32> -> vector<1024x1xf32>
    %mul3A_414 = arith.constant 0.00130208337 : f32
    %mul3A_415 = vector.broadcast %mul3A_414 : f32 to vector<1024x1xf32>
    %mul3A_416 = arith.mulf %dot_general3A_413, %mul3A_415 : vector<1024x1xf32>
    %mul3A_417 = arith.mulf %mul3A_410, %mul3A_410 : vector<1024x1xf32>
    %sub3A_418 = arith.subf %mul3A_416, %mul3A_417 : vector<1024x1xf32>
    %sub3A_419 = vector.broadcast %mul3A_410 : vector<1024x1xf32> to vector<1024x768xf32>
    %sub3A_420 = arith.subf %add3A_404, %sub3A_419 : vector<1024x768xf32>
    %mul3A_421 = vector.broadcast %get3A_268 : vector<1x768xf32> to vector<1024x768xf32>
    %mul3A_422 = arith.mulf %mul3A_421, %sub3A_420 : vector<1024x768xf32>
    %add3A_423 = arith.constant 9.99999974E-6 : f32
    %add3A_424 = vector.broadcast %add3A_423 : f32 to vector<1024x1xf32>
    %add3A_425 = arith.addf %sub3A_418, %add3A_424 : vector<1024x1xf32>
    %rsqrt3A_426 = math.rsqrt %add3A_425 : vector<1024x1xf32>
    %mul3A_427 = vector.broadcast %rsqrt3A_426 : vector<1024x1xf32> to vector<1024x768xf32>
    %mul3A_428 = arith.mulf %mul3A_422, %mul3A_427 : vector<1024x768xf32>
    %add3A_429 = vector.broadcast %get3A_271 : vector<1x768xf32> to vector<1024x768xf32>
    %add3A_430 = arith.addf %mul3A_428, %add3A_429 : vector<1024x768xf32>
    %add3A_431 = arith.addf %mul3A_265, %add3A_430 : vector<1024x768xf32>
    %convert_element_type3A_432 = arith.truncf %add3A_431 : vector<1024x768xf32> to vector<1024x768xbf16>
    %dot_general3A_433 = arith.constant dense<0.000000e+00> : vector<1024x1xf32>
    %dot_general3A_434 = tpu.matmul %convert_element_type3A_432, %broadcast_in_dim3A_273, %dot_general3A_433 {dimension_numbers = #tpu.dot_dimension_numbers<[1], [0], [0], [1], [0, 0, 1, 1], [], []>, transpose_lhs_hint = false} : vector<1024x768xbf16>, vector<768x1xbf16>, vector<1024x1xf32> -> vector<1024x1xf32>
    %mul3A_435 = arith.constant 0.00130208337 : f32
    %mul3A_436 = vector.broadcast %mul3A_435 : f32 to vector<1024x1xf32>
    %mul3A_437 = arith.mulf %dot_general3A_434, %mul3A_436 : vector<1024x1xf32>
    %mul3A_438 = arith.mulf %convert_element_type3A_432, %convert_element_type3A_432 : vector<1024x768xbf16>
    %dot_general3A_439 = arith.constant dense<0.000000e+00> : vector<1024x1xf32>
    %dot_general3A_440 = tpu.matmul %mul3A_438, %broadcast_in_dim3A_273, %dot_general3A_439 {dimension_numbers = #tpu.dot_dimension_numbers<[1], [0], [0], [1], [0, 0, 1, 1], [], []>, transpose_lhs_hint = false} : vector<1024x768xbf16>, vector<768x1xbf16>, vector<1024x1xf32> -> vector<1024x1xf32>
    %mul3A_441 = arith.constant 0.00130208337 : f32
    %mul3A_442 = vector.broadcast %mul3A_441 : f32 to vector<1024x1xf32>
    %mul3A_443 = arith.mulf %dot_general3A_440, %mul3A_442 : vector<1024x1xf32>
    %mul3A_444 = arith.mulf %mul3A_437, %mul3A_437 : vector<1024x1xf32>
    %sub3A_445 = arith.subf %mul3A_443, %mul3A_444 : vector<1024x1xf32>
    %sub3A_446 = vector.broadcast %mul3A_437 : vector<1024x1xf32> to vector<1024x768xf32>
    %sub3A_447 = arith.subf %add3A_431, %sub3A_446 : vector<1024x768xf32>
    %mul3A_448 = vector.broadcast %get3A_268 : vector<1x768xf32> to vector<1024x768xf32>
    %mul3A_449 = arith.mulf %mul3A_448, %sub3A_447 : vector<1024x768xf32>
    %add3A_450 = arith.constant 9.99999974E-6 : f32
    %add3A_451 = vector.broadcast %add3A_450 : f32 to vector<1024x1xf32>
    %add3A_452 = arith.addf %sub3A_445, %add3A_451 : vector<1024x1xf32>
    %rsqrt3A_453 = math.rsqrt %add3A_452 : vector<1024x1xf32>
    %mul3A_454 = vector.broadcast %rsqrt3A_453 : vector<1024x1xf32> to vector<1024x768xf32>
    %mul3A_455 = arith.mulf %mul3A_449, %mul3A_454 : vector<1024x768xf32>
    %add3A_456 = vector.broadcast %get3A_271 : vector<1x768xf32> to vector<1024x768xf32>
    %add3A_457 = arith.addf %mul3A_455, %add3A_456 : vector<1024x768xf32>
    %get3A_458 = arith.constant 0 : index
    %get3A_459 = arith.constant 0 : index
    %get3A_460 = vector.load %arg24[%get3A_458, %get3A_459] : memref<768x512xbf16, #tpu.memory_space<vmem>>, vector<768x512xbf16>
    %convert_element_type3A_461 = arith.truncf %add3A_457 : vector<1024x768xf32> to vector<1024x768xbf16>
    %dot_general3A_462 = arith.constant dense<0.000000e+00> : vector<1024x512xf32>
    %dot_general3A_463 = tpu.matmul %convert_element_type3A_461, %get3A_460, %dot_general3A_462 {dimension_numbers = #tpu.dot_dimension_numbers<[1], [0], [0], [1], [0, 0, 1, 1], [], []>, transpose_lhs_hint = false} : vector<1024x768xbf16>, vector<768x512xbf16>, vector<1024x512xf32> -> vector<1024x512xf32>
    %get3A_464 = arith.constant 0 : index
    %get3A_465 = arith.constant 0 : index
    %get3A_466 = vector.load %arg25[%get3A_464, %get3A_465] : memref<1x512xf32, #tpu.memory_space<vmem>>, vector<1x512xf32>
    %add3A_467 = vector.broadcast %get3A_466 : vector<1x512xf32> to vector<1024x512xf32>
    %add3A_468 = arith.addf %dot_general3A_463, %add3A_467 : vector<1024x512xf32>
    %max3A_469 = arith.constant 0.000000e+00 : f32
    %max3A_470 = vector.broadcast %max3A_469 : f32 to vector<1024x512xf32>
    %max3A_471 = arith.maximumf %add3A_468, %max3A_470 : vector<1024x512xf32>
    %get3A_472 = arith.constant 0 : index
    %get3A_473 = arith.constant 0 : index
    %get3A_474 = vector.load %arg26[%get3A_472, %get3A_473] : memref<512x768xbf16, #tpu.memory_space<vmem>>, vector<512x768xbf16>
    %convert_element_type3A_475 = arith.truncf %max3A_471 : vector<1024x512xf32> to vector<1024x512xbf16>
    %dot_general3A_476 = arith.constant dense<0.000000e+00> : vector<1024x768xf32>
    %dot_general3A_477 = tpu.matmul %convert_element_type3A_475, %get3A_474, %dot_general3A_476 {dimension_numbers = #tpu.dot_dimension_numbers<[1], [0], [0], [1], [0, 0, 1, 1], [], []>, transpose_lhs_hint = false} : vector<1024x512xbf16>, vector<512x768xbf16>, vector<1024x768xf32> -> vector<1024x768xf32>
    %get3A_478 = arith.constant 0 : index
    %get3A_479 = arith.constant 0 : index
    %get3A_480 = vector.load %arg27[%get3A_478, %get3A_479] : memref<1x768xf32, #tpu.memory_space<vmem>>, vector<1x768xf32>
    %add3A_481 = vector.broadcast %get3A_480 : vector<1x768xf32> to vector<1024x768xf32>
    %add3A_482 = arith.addf %dot_general3A_477, %add3A_481 : vector<1024x768xf32>
    %add3A_483 = arith.addf %add3A_482, %add3A_457 : vector<1024x768xf32>
    %convert_element_type3A_484 = arith.truncf %add3A_483 : vector<1024x768xf32> to vector<1024x768xbf16>
    %dot_general3A_485 = arith.constant dense<0.000000e+00> : vector<1024x1xf32>
    %dot_general3A_486 = tpu.matmul %convert_element_type3A_484, %broadcast_in_dim3A_273, %dot_general3A_485 {dimension_numbers = #tpu.dot_dimension_numbers<[1], [0], [0], [1], [0, 0, 1, 1], [], []>, transpose_lhs_hint = false} : vector<1024x768xbf16>, vector<768x1xbf16>, vector<1024x1xf32> -> vector<1024x1xf32>
    %mul3A_487 = arith.constant 0.00130208337 : f32
    %mul3A_488 = vector.broadcast %mul3A_487 : f32 to vector<1024x1xf32>
    %mul3A_489 = arith.mulf %dot_general3A_486, %mul3A_488 : vector<1024x1xf32>
    %mul3A_490 = arith.mulf %convert_element_type3A_484, %convert_element_type3A_484 : vector<1024x768xbf16>
    %dot_general3A_491 = arith.constant dense<0.000000e+00> : vector<1024x1xf32>
    %dot_general3A_492 = tpu.matmul %mul3A_490, %broadcast_in_dim3A_273, %dot_general3A_491 {dimension_numbers = #tpu.dot_dimension_numbers<[1], [0], [0], [1], [0, 0, 1, 1], [], []>, transpose_lhs_hint = false} : vector<1024x768xbf16>, vector<768x1xbf16>, vector<1024x1xf32> -> vector<1024x1xf32>
    %mul3A_493 = arith.constant 0.00130208337 : f32
    %mul3A_494 = vector.broadcast %mul3A_493 : f32 to vector<1024x1xf32>
    %mul3A_495 = arith.mulf %dot_general3A_492, %mul3A_494 : vector<1024x1xf32>
    %mul3A_496 = arith.mulf %mul3A_489, %mul3A_489 : vector<1024x1xf32>
    %sub3A_497 = arith.subf %mul3A_495, %mul3A_496 : vector<1024x1xf32>
    %sub3A_498 = vector.broadcast %mul3A_489 : vector<1024x1xf32> to vector<1024x768xf32>
    %sub3A_499 = arith.subf %add3A_483, %sub3A_498 : vector<1024x768xf32>
    %mul3A_500 = vector.broadcast %get3A_268 : vector<1x768xf32> to vector<1024x768xf32>
    %mul3A_501 = arith.mulf %mul3A_500, %sub3A_499 : vector<1024x768xf32>
    %add3A_502 = arith.constant 9.99999974E-6 : f32
    %add3A_503 = vector.broadcast %add3A_502 : f32 to vector<1024x1xf32>
    %add3A_504 = arith.addf %sub3A_497, %add3A_503 : vector<1024x1xf32>
    %rsqrt3A_505 = math.rsqrt %add3A_504 : vector<1024x1xf32>
    %mul3A_506 = vector.broadcast %rsqrt3A_505 : vector<1024x1xf32> to vector<1024x768xf32>
    %mul3A_507 = arith.mulf %mul3A_501, %mul3A_506 : vector<1024x768xf32>
    %add3A_508 = vector.broadcast %get3A_271 : vector<1x768xf32> to vector<1024x768xf32>
    %add3A_509 = arith.addf %mul3A_507, %add3A_508 : vector<1024x768xf32>
    %add3A_510 = arith.addf %mul3A_265, %add3A_509 : vector<1024x768xf32>
    %convert_element_type3A_511 = arith.truncf %add3A_510 : vector<1024x768xf32> to vector<1024x768xbf16>
    %dot_general3A_512 = arith.constant dense<0.000000e+00> : vector<1024x1xf32>
    %dot_general3A_513 = tpu.matmul %convert_element_type3A_511, %broadcast_in_dim3A_273, %dot_general3A_512 {dimension_numbers = #tpu.dot_dimension_numbers<[1], [0], [0], [1], [0, 0, 1, 1], [], []>, transpose_lhs_hint = false} : vector<1024x768xbf16>, vector<768x1xbf16>, vector<1024x1xf32> -> vector<1024x1xf32>
    %mul3A_514 = arith.constant 0.00130208337 : f32
    %mul3A_515 = vector.broadcast %mul3A_514 : f32 to vector<1024x1xf32>
    %mul3A_516 = arith.mulf %dot_general3A_513, %mul3A_515 : vector<1024x1xf32>
    %mul3A_517 = arith.mulf %convert_element_type3A_511, %convert_element_type3A_511 : vector<1024x768xbf16>
    %dot_general3A_518 = arith.constant dense<0.000000e+00> : vector<1024x1xf32>
    %dot_general3A_519 = tpu.matmul %mul3A_517, %broadcast_in_dim3A_273, %dot_general3A_518 {dimension_numbers = #tpu.dot_dimension_numbers<[1], [0], [0], [1], [0, 0, 1, 1], [], []>, transpose_lhs_hint = false} : vector<1024x768xbf16>, vector<768x1xbf16>, vector<1024x1xf32> -> vector<1024x1xf32>
    %mul3A_520 = arith.constant 0.00130208337 : f32
    %mul3A_521 = vector.broadcast %mul3A_520 : f32 to vector<1024x1xf32>
    %mul3A_522 = arith.mulf %dot_general3A_519, %mul3A_521 : vector<1024x1xf32>
    %mul3A_523 = arith.mulf %mul3A_516, %mul3A_516 : vector<1024x1xf32>
    %sub3A_524 = arith.subf %mul3A_522, %mul3A_523 : vector<1024x1xf32>
    %sub3A_525 = vector.broadcast %mul3A_516 : vector<1024x1xf32> to vector<1024x768xf32>
    %sub3A_526 = arith.subf %add3A_510, %sub3A_525 : vector<1024x768xf32>
    %mul3A_527 = vector.broadcast %get3A_268 : vector<1x768xf32> to vector<1024x768xf32>
    %mul3A_528 = arith.mulf %mul3A_527, %sub3A_526 : vector<1024x768xf32>
    %add3A_529 = arith.constant 9.99999974E-6 : f32
    %add3A_530 = vector.broadcast %add3A_529 : f32 to vector<1024x1xf32>
    %add3A_531 = arith.addf %sub3A_524, %add3A_530 : vector<1024x1xf32>
    %rsqrt3A_532 = math.rsqrt %add3A_531 : vector<1024x1xf32>
    %mul3A_533 = vector.broadcast %rsqrt3A_532 : vector<1024x1xf32> to vector<1024x768xf32>
    %mul3A_534 = arith.mulf %mul3A_528, %mul3A_533 : vector<1024x768xf32>
    %add3A_535 = vector.broadcast %get3A_271 : vector<1x768xf32> to vector<1024x768xf32>
    %add3A_536 = arith.addf %mul3A_534, %add3A_535 : vector<1024x768xf32>
    %get3A_537 = arith.constant 0 : index
    %get3A_538 = arith.constant 0 : index
    %get3A_539 = vector.load %arg24[%get3A_537, %get3A_538] : memref<768x512xbf16, #tpu.memory_space<vmem>>, vector<768x512xbf16>
    %convert_element_type3A_540 = arith.truncf %add3A_536 : vector<1024x768xf32> to vector<1024x768xbf16>
    %dot_general3A_541 = arith.constant dense<0.000000e+00> : vector<1024x512xf32>
    %dot_general3A_542 = tpu.matmul %convert_element_type3A_540, %get3A_539, %dot_general3A_541 {dimension_numbers = #tpu.dot_dimension_numbers<[1], [0], [0], [1], [0, 0, 1, 1], [], []>, transpose_lhs_hint = false} : vector<1024x768xbf16>, vector<768x512xbf16>, vector<1024x512xf32> -> vector<1024x512xf32>
    %get3A_543 = arith.constant 0 : index
    %get3A_544 = arith.constant 0 : index
    %get3A_545 = vector.load %arg25[%get3A_543, %get3A_544] : memref<1x512xf32, #tpu.memory_space<vmem>>, vector<1x512xf32>
    %add3A_546 = vector.broadcast %get3A_545 : vector<1x512xf32> to vector<1024x512xf32>
    %add3A_547 = arith.addf %dot_general3A_542, %add3A_546 : vector<1024x512xf32>
    %max3A_548 = arith.constant 0.000000e+00 : f32
    %max3A_549 = vector.broadcast %max3A_548 : f32 to vector<1024x512xf32>
    %max3A_550 = arith.maximumf %add3A_547, %max3A_549 : vector<1024x512xf32>
    %get3A_551 = arith.constant 0 : index
    %get3A_552 = arith.constant 0 : index
    %get3A_553 = vector.load %arg26[%get3A_551, %get3A_552] : memref<512x768xbf16, #tpu.memory_space<vmem>>, vector<512x768xbf16>
    %convert_element_type3A_554 = arith.truncf %max3A_550 : vector<1024x512xf32> to vector<1024x512xbf16>
    %dot_general3A_555 = arith.constant dense<0.000000e+00> : vector<1024x768xf32>
    %dot_general3A_556 = tpu.matmul %convert_element_type3A_554, %get3A_553, %dot_general3A_555 {dimension_numbers = #tpu.dot_dimension_numbers<[1], [0], [0], [1], [0, 0, 1, 1], [], []>, transpose_lhs_hint = false} : vector<1024x512xbf16>, vector<512x768xbf16>, vector<1024x768xf32> -> vector<1024x768xf32>
    %get3A_557 = arith.constant 0 : index
    %get3A_558 = arith.constant 0 : index
    %get3A_559 = vector.load %arg27[%get3A_557, %get3A_558] : memref<1x768xf32, #tpu.memory_space<vmem>>, vector<1x768xf32>
    %add3A_560 = vector.broadcast %get3A_559 : vector<1x768xf32> to vector<1024x768xf32>
    %add3A_561 = arith.addf %dot_general3A_556, %add3A_560 : vector<1024x768xf32>
    %add3A_562 = arith.addf %add3A_561, %add3A_536 : vector<1024x768xf32>
    %convert_element_type3A_563 = arith.truncf %add3A_562 : vector<1024x768xf32> to vector<1024x768xbf16>
    %dot_general3A_564 = arith.constant dense<0.000000e+00> : vector<1024x1xf32>
    %dot_general3A_565 = tpu.matmul %convert_element_type3A_563, %broadcast_in_dim3A_273, %dot_general3A_564 {dimension_numbers = #tpu.dot_dimension_numbers<[1], [0], [0], [1], [0, 0, 1, 1], [], []>, transpose_lhs_hint = false} : vector<1024x768xbf16>, vector<768x1xbf16>, vector<1024x1xf32> -> vector<1024x1xf32>
    %mul3A_566 = arith.constant 0.00130208337 : f32
    %mul3A_567 = vector.broadcast %mul3A_566 : f32 to vector<1024x1xf32>
    %mul3A_568 = arith.mulf %dot_general3A_565, %mul3A_567 : vector<1024x1xf32>
    %mul3A_569 = arith.mulf %convert_element_type3A_563, %convert_element_type3A_563 : vector<1024x768xbf16>
    %dot_general3A_570 = arith.constant dense<0.000000e+00> : vector<1024x1xf32>
    %dot_general3A_571 = tpu.matmul %mul3A_569, %broadcast_in_dim3A_273, %dot_general3A_570 {dimension_numbers = #tpu.dot_dimension_numbers<[1], [0], [0], [1], [0, 0, 1, 1], [], []>, transpose_lhs_hint = false} : vector<1024x768xbf16>, vector<768x1xbf16>, vector<1024x1xf32> -> vector<1024x1xf32>
    %mul3A_572 = arith.constant 0.00130208337 : f32
    %mul3A_573 = vector.broadcast %mul3A_572 : f32 to vector<1024x1xf32>
    %mul3A_574 = arith.mulf %dot_general3A_571, %mul3A_573 : vector<1024x1xf32>
    %mul3A_575 = arith.mulf %mul3A_568, %mul3A_568 : vector<1024x1xf32>
    %sub3A_576 = arith.subf %mul3A_574, %mul3A_575 : vector<1024x1xf32>
    %sub3A_577 = vector.broadcast %mul3A_568 : vector<1024x1xf32> to vector<1024x768xf32>
    %sub3A_578 = arith.subf %add3A_562, %sub3A_577 : vector<1024x768xf32>
    %mul3A_579 = vector.broadcast %get3A_268 : vector<1x768xf32> to vector<1024x768xf32>
    %mul3A_580 = arith.mulf %mul3A_579, %sub3A_578 : vector<1024x768xf32>
    %add3A_581 = arith.constant 9.99999974E-6 : f32
    %add3A_582 = vector.broadcast %add3A_581 : f32 to vector<1024x1xf32>
    %add3A_583 = arith.addf %sub3A_576, %add3A_582 : vector<1024x1xf32>
    %rsqrt3A_584 = math.rsqrt %add3A_583 : vector<1024x1xf32>
    %mul3A_585 = vector.broadcast %rsqrt3A_584 : vector<1024x1xf32> to vector<1024x768xf32>
    %mul3A_586 = arith.mulf %mul3A_580, %mul3A_585 : vector<1024x768xf32>
    %add3A_587 = vector.broadcast %get3A_271 : vector<1x768xf32> to vector<1024x768xf32>
    %add3A_588 = arith.addf %mul3A_586, %add3A_587 : vector<1024x768xf32>
    %get3A_589 = arith.constant 0 : index
    %get3A_590 = arith.constant 0 : index
    %get3A_591 = vector.load %arg28[%get3A_589, %get3A_590] : memref<768x128xbf16, #tpu.memory_space<vmem>>, vector<768x128xbf16>
    %convert_element_type3A_592 = arith.truncf %add3A_588 : vector<1024x768xf32> to vector<1024x768xbf16>
    %dot_general3A_593 = arith.constant dense<0.000000e+00> : vector<1024x128xf32>
    %dot_general3A_594 = tpu.matmul %convert_element_type3A_592, %get3A_591, %dot_general3A_593 {dimension_numbers = #tpu.dot_dimension_numbers<[1], [0], [0], [1], [0, 0, 1, 1], [], []>, transpose_lhs_hint = false} : vector<1024x768xbf16>, vector<768x128xbf16>, vector<1024x128xf32> -> vector<1024x128xf32>
    %get3A_595 = arith.constant 0 : index
    %get3A_596 = arith.constant 0 : index
    %get3A_597 = vector.load %arg29[%get3A_595, %get3A_596] : memref<1x128xf32, #tpu.memory_space<vmem>>, vector<1x128xf32>
    %add3A_598 = vector.broadcast %get3A_597 : vector<1x128xf32> to vector<1024x128xf32>
    %add3A_599 = arith.addf %dot_general3A_594, %add3A_598 : vector<1024x128xf32>
    %lt3A_600 = arith.constant 5 : i32
    %lt3A_601 = vector.broadcast %lt3A_600 : i32 to vector<1024x128xi32>
    %lt3A_602 = arith.cmpi slt, %iota3A, %lt3A_601 : vector<1024x128xi32>
    %jit3A_603 = arith.constant -1.000000e+30 : f32
    %broadcast_in_dim3A_604 = vector.broadcast %jit3A_603 : f32 to vector<1024x128xf32>
    %select_n3A_605 = arith.select %lt3A_602, %add3A_599, %broadcast_in_dim3A_604 : vector<1024x128xi1>, vector<1024x128xf32>
    %reduce_max3A_606 = arith.constant dense<0xFF800000> : vector<1024xf32>
    %reduce_max3A_607 = vector.multi_reduction <maximumf>, %select_n3A_605, %reduce_max3A_606 [1] : vector<1024x128xf32> to vector<1024xf32>
    %broadcast_in_dim3A_608 = vector.shape_cast %reduce_max3A_607 : vector<1024xf32> to vector<1024x1xf32>
    %sub3A_609 = vector.broadcast %broadcast_in_dim3A_608 : vector<1024x1xf32> to vector<1024x128xf32>
    %sub3A_610 = arith.subf %select_n3A_605, %sub3A_609 : vector<1024x128xf32>
    %exp3A_611 = math.exp %sub3A_610 : vector<1024x128xf32>
    %reduce_sum3A_612 = arith.constant dense<0.000000e+00> : vector<1024xf32>
    %reduce_sum3A_613 = vector.multi_reduction <add>, %exp3A_611, %reduce_sum3A_612 [1] : vector<1024x128xf32> to vector<1024xf32>
    %broadcast_in_dim3A_614 = vector.shape_cast %reduce_sum3A_613 : vector<1024xf32> to vector<1024x1xf32>
    %div3A_615 = vector.broadcast %broadcast_in_dim3A_614 : vector<1024x1xf32> to vector<1024x128xf32>
    %div3A_616 = arith.divf %exp3A_611, %div3A_615 : vector<1024x128xf32>
    %swap3A = arith.constant 0 : index
    %swap3A_617 = arith.constant 0 : index
    %swap3A_618 = vector.load %arg30[%swap3A, %swap3A_617] : memref<1024x128xf32, #tpu.memory_space<vmem>>, vector<1024x128xf32>
    tpu.vector_store %arg30[%swap3A, %swap3A_617], %div3A_616 {strides = array<i32>} : memref<1024x128xf32, #tpu.memory_space<vmem>>, vector<1024x128xf32>,
    return
  }
  func.func @transform_0(%arg0: i32) -> (i32, i32) {
    %c0_i32 = arith.constant 0 : i32
    %c0_i32_0 = arith.constant 0 : i32
    return %arg0, %c0_i32 : i32, i32
  }
  func.func @transform_1(%arg0: i32) -> (i32, i32) {
    %c0_i32 = arith.constant 0 : i32
    %c0_i32_0 = arith.constant 0 : i32
    return %arg0, %c0_i32 : i32, i32
  }
  func.func @transform_2(%arg0: i32) -> (i32, i32, i32) {
    %c0_i32 = arith.constant 0 : i32
    %c0_i32_0 = arith.constant 0 : i32
    %c0_i32_1 = arith.constant 0 : i32
    return %arg0, %c0_i32, %c0_i32_0 : i32, i32, i32
  }
  func.func @transform_3(%arg0: i32) -> (i32, i32, i32) {
    %c0_i32 = arith.constant 0 : i32
    %c0_i32_0 = arith.constant 0 : i32
    %c0_i32_1 = arith.constant 0 : i32
    return %arg0, %c0_i32, %c0_i32_0 : i32, i32, i32
  }
  func.func @transform_4(%arg0: i32) -> (i32, i32) {
    %c0_i32 = arith.constant 0 : i32
    %c0_i32_0 = arith.constant 0 : i32
    return %arg0, %c0_i32 : i32, i32
  }
  func.func @transform_5(%arg0: i32) -> (i32, i32) {
    %c0_i32 = arith.constant 0 : i32
    %c0_i32_0 = arith.constant 0 : i32
    %c0_i32_1 = arith.constant 0 : i32
    return %c0_i32, %c0_i32_0 : i32, i32
  }
  func.func @transform_6(%arg0: i32) -> (i32, i32) {
    %c0_i32 = arith.constant 0 : i32
    %c0_i32_0 = arith.constant 0 : i32
    %c0_i32_1 = arith.constant 0 : i32
    return %c0_i32, %c0_i32_0 : i32, i32
  }
  func.func @transform_7(%arg0: i32) -> (i32, i32) {
    %c0_i32 = arith.constant 0 : i32
    %c0_i32_0 = arith.constant 0 : i32
    %c0_i32_1 = arith.constant 0 : i32
    return %c0_i32, %c0_i32_0 : i32, i32
  }
  func.func @transform_8(%arg0: i32) -> (i32, i32) {
    %c0_i32 = arith.constant 0 : i32
    %c0_i32_0 = arith.constant 0 : i32
    %c0_i32_1 = arith.constant 0 : i32
    return %c0_i32, %c0_i32_0 : i32, i32
  }
  func.func @transform_9(%arg0: i32) -> (i32, i32) {
    %c0_i32 = arith.constant 0 : i32
    %c0_i32_0 = arith.constant 0 : i32
    %c0_i32_1 = arith.constant 0 : i32
    return %c0_i32, %c0_i32_0 : i32, i32
  }
  func.func @transform_10(%arg0: i32) -> (i32, i32) {
    %c0_i32 = arith.constant 0 : i32
    %c0_i32_0 = arith.constant 0 : i32
    %c0_i32_1 = arith.constant 0 : i32
    return %c0_i32, %c0_i32_0 : i32, i32
  }
  func.func @transform_11(%arg0: i32) -> (i32, i32) {
    %c0_i32 = arith.constant 0 : i32
    %c0_i32_0 = arith.constant 0 : i32
    %c0_i32_1 = arith.constant 0 : i32
    return %c0_i32, %c0_i32_0 : i32, i32
  }
  func.func @transform_12(%arg0: i32) -> (i32, i32) {
    %c0_i32 = arith.constant 0 : i32
    %c0_i32_0 = arith.constant 0 : i32
    %c0_i32_1 = arith.constant 0 : i32
    return %c0_i32, %c0_i32_0 : i32, i32
  }
  func.func @transform_13(%arg0: i32) -> (i32, i32) {
    %c0_i32 = arith.constant 0 : i32
    %c0_i32_0 = arith.constant 0 : i32
    %c0_i32_1 = arith.constant 0 : i32
    return %c0_i32, %c0_i32_0 : i32, i32
  }
  func.func @transform_14(%arg0: i32) -> (i32, i32) {
    %c0_i32 = arith.constant 0 : i32
    %c0_i32_0 = arith.constant 0 : i32
    %c0_i32_1 = arith.constant 0 : i32
    return %c0_i32, %c0_i32_0 : i32, i32
  }
  func.func @transform_15(%arg0: i32) -> (i32, i32) {
    %c0_i32 = arith.constant 0 : i32
    %c0_i32_0 = arith.constant 0 : i32
    %c0_i32_1 = arith.constant 0 : i32
    return %c0_i32, %c0_i32_0 : i32, i32
  }
  func.func @transform_16(%arg0: i32) -> (i32, i32) {
    %c0_i32 = arith.constant 0 : i32
    %c0_i32_0 = arith.constant 0 : i32
    %c0_i32_1 = arith.constant 0 : i32
    return %c0_i32, %c0_i32_0 : i32, i32
  }
  func.func @transform_17(%arg0: i32) -> (i32, i32, i32) {
    %c0_i32 = arith.constant 0 : i32
    %c0_i32_0 = arith.constant 0 : i32
    %c0_i32_1 = arith.constant 0 : i32
    %c0_i32_2 = arith.constant 0 : i32
    return %c0_i32, %c0_i32_0, %c0_i32_1 : i32, i32, i32
  }
  func.func @transform_18(%arg0: i32) -> (i32, i32) {
    %c0_i32 = arith.constant 0 : i32
    %c0_i32_0 = arith.constant 0 : i32
    %c0_i32_1 = arith.constant 0 : i32
    return %c0_i32, %c0_i32_0 : i32, i32
  }
  func.func @transform_19(%arg0: i32) -> (i32, i32, i32) {
    %c0_i32 = arith.constant 0 : i32
    %c0_i32_0 = arith.constant 0 : i32
    %c0_i32_1 = arith.constant 0 : i32
    %c0_i32_2 = arith.constant 0 : i32
    return %c0_i32, %c0_i32_0, %c0_i32_1 : i32, i32, i32
  }
  func.func @transform_20(%arg0: i32) -> (i32, i32) {
    %c0_i32 = arith.constant 0 : i32
    %c0_i32_0 = arith.constant 0 : i32
    %c0_i32_1 = arith.constant 0 : i32
    return %c0_i32, %c0_i32_0 : i32, i32
  }
  func.func @transform_21(%arg0: i32) -> (i32, i32) {
    %c0_i32 = arith.constant 0 : i32
    %c0_i32_0 = arith.constant 0 : i32
    %c0_i32_1 = arith.constant 0 : i32
    return %c0_i32, %c0_i32_0 : i32, i32
  }
  func.func @transform_22(%arg0: i32) -> (i32, i32) {
    %c0_i32 = arith.constant 0 : i32
    %c0_i32_0 = arith.constant 0 : i32
    %c0_i32_1 = arith.constant 0 : i32
    return %c0_i32, %c0_i32_0 : i32, i32
  }
  func.func @transform_23(%arg0: i32) -> (i32, i32) {
    %c0_i32 = arith.constant 0 : i32
    %c0_i32_0 = arith.constant 0 : i32
    %c0_i32_1 = arith.constant 0 : i32
    return %c0_i32, %c0_i32_0 : i32, i32
  }
  func.func @transform_24(%arg0: i32) -> (i32, i32) {
    %c0_i32 = arith.constant 0 : i32
    %c0_i32_0 = arith.constant 0 : i32
    %c0_i32_1 = arith.constant 0 : i32
    return %c0_i32, %c0_i32_0 : i32, i32
  }
  func.func @transform_25(%arg0: i32) -> (i32, i32) {
    %c0_i32 = arith.constant 0 : i32
    %c0_i32_0 = arith.constant 0 : i32
    %c0_i32_1 = arith.constant 0 : i32
    return %c0_i32, %c0_i32_0 : i32, i32
  }
  func.func @transform_26(%arg0: i32) -> (i32, i32) {
    %c0_i32 = arith.constant 0 : i32
    %c0_i32_0 = arith.constant 0 : i32
    %c0_i32_1 = arith.constant 0 : i32
    return %c0_i32, %c0_i32_0 : i32, i32
  }
  func.func @transform_27(%arg0: i32) -> (i32, i32) {
    %c0_i32 = arith.constant 0 : i32
    %c0_i32_0 = arith.constant 0 : i32
    %c0_i32_1 = arith.constant 0 : i32
    return %c0_i32, %c0_i32_0 : i32, i32
  }
  func.func @transform_28(%arg0: i32) -> (i32, i32) {
    %c0_i32 = arith.constant 0 : i32
    %c0_i32_0 = arith.constant 0 : i32
    %c0_i32_1 = arith.constant 0 : i32
    return %c0_i32, %c0_i32_0 : i32, i32
  }
  func.func @transform_29(%arg0: i32) -> (i32, i32) {
    %c0_i32 = arith.constant 0 : i32
    %c0_i32_0 = arith.constant 0 : i32
    return %arg0, %c0_i32 : i32, i32
  }
}

</mosaic_0001>

<sc_bundles>
// kernel: kernel.4.cloned.1.call-start
scs
__scs_entry_jumppad:
0x0: {  	(pc) =	sbr.rel $0x88, $3  }
0x1: {  	(tag) =	ssettag $0x0;
	lr =	simm.s32 $0x1  }
0x2: {  	[smem:$0x3F85] =	sst lr;
	_ =	strace $0xD0000000  }
0x3: {  	_ = 	snop  }
0x4: {  	_ = 	snop  }
0x5: {  	_ = 	snop  }
0x6: {  	_ = 	snop  }
0x7: {  	_ = 	snop  }
__scs_overlays_trampoline_lowered:
0x8: {  	[smem:$0x3F94] =	sst s0  }
0x9: {  	[smem:$0x3F95] =	sst s1  }
0xa: {  	[smem:$0x3F96] =	sst s2  }
0xb: {  	[smem:$0x3F97] =	sst s3  }
0xc: {  	[smem:$0x3F98] =	sst s4  }
0xd: {  	[smem:$0x3F99] =	sst s5  }
0xe: {  	[smem:$0x3F9A] =	sst s6  }
0xf: {  	[smem:$0x3F9B] =	sst s7  }
0x10: {  	[smem:$0x3F9C] =	sst s8  }
0x11: {  	[smem:$0x3F9D] =	sst s9;
	s0 =	simm.s32 @!p0 $0x0  }
0x12: {  	s1 =	sld [smem:$0x3F83];
	s0 =	simm.s32 @p0 $0x1  }
0x13: {  	[smem:$0x3F9E] =	sst s0;
	s0 =	simm.s32 @!p1 $0x0  }
0x14: {  	s2 =	sld [smem:$0x3F82];
	s0 =	simm.s32 @p1 $0x1  }
0x15: {  	[smem:$0x3F9F] =	sst s0;
	s0 =	simm.s32 @!p2 $0x0  }
0x16: {  	s3 =	sld [smem:$0x3FDB];
	s0 =	simm.s32 @p2 $0x1  }
0x17: {  	s4 =	simm.s32 $0x1BF5;
	[smem:$0x3FA1] =	sst s0  }
0x18: {  	s0 =	sld [smem:$0x3F84];
	_ =	swait.ge [sflag:s4], $0x0  }
0x19: {  	s7 =	sld [smem:$0x3F85]  }
0x1a: {  	s8 =	sadd.s32 $0xFFFFE003, lr  }
0x1b: {  	s9 =	sadd.s32 $0xFFFFFEF7, lr;
	s5 =	simm.s32 $0xFFFFFFFF;
	p2 =	slt.u32 s8, $0xFFFFF086  }
0x1c: {  	p1 =	slt.u32 s9, $0xF7A;
	s5 =	simm.s32 @!p2 $0x0  }
0x1d: {  	s5 =	simm.s32 @p1 $0x1;
	p0 =	seq.s32 s7, s2  }
0x1e: {  	s7 =	smul.u32 @!p0 $0xF7A, s2;
	p2 =	seq.s32 @!p0 s5, $0x0  }
0x1f: {  	s9 =	smul.u32 $0xF7A, s1;
	s8 =	simm.s32 @!p0 $0x1BF5;
	p2 =	por !p2, p0  }
0x20: {  	[sflag:s8] =	ssyncset.s32 @!p0 $0xFFFFF086;
	s6 =	sadd.s32 @!p0 s3, s7;
	s7 =	simm.s32 @!p0 $0x108  }
0x21: {  	s3 =	sadd.s32 s3, s9;
	s6 =	sadd.s32 @!p0 $0x88, s6;
	s7 =	simm.s32 @p2 $0x1082  }
0x22: {  	[simem:s7], [sflag:s8] =	dma.local @!p0 [hbm:s6], $0xF7A  }
0x23: {  	s9 =	sor.u32 $0xD0000000, s2;
	s6 =	simm.s32 $0x108;
	_ =	swait.ge @!p0 [sflag:s8], $0x0  }
0x24: {  	s3 =	sadd.s32 $0x88, s3;
	s6 =	simm.s32 @!p1 $0x1082;
	[sflag:s4] =	ssyncset.s32 $0xFFFFF086  }
0x25: {  	[simem:s6], [sflag:s4] =	dma.local [hbm:s3], $0xF7A  }
0x26: {  	[smem:$0x3F85] =	sst s1;
	(tag) =	ssettag s2;
	_ =	strace s9  }
0x27: {  	s1 =	sld [smem:$0x3F95]  }
0x28: {  	s2 =	sld [smem:$0x3F96]  }
0x29: {  	s4 =	sld [smem:$0x3F98]  }
0x2a: {  	p0 =	seq.s32 s5, $0x0;
	s5 =	sld [smem:$0x3F99]  }
0x2b: {  	s6 =	sld [smem:$0x3F9A]  }
0x2c: {  	s7 =	sld [smem:$0x3F9B]  }
0x2d: {  	s3 =	simm.s32 $0x108;
	s8 =	sld [smem:$0x3F9C]  }
0x2e: {  	s3 =	simm.s32 @!p0 $0x1082;
	s9 =	sld [smem:$0x3F9D]  }
0x2f: {  	lr =	sadd.s32 s0, s3;
	s0 =	sld [smem:$0x3F94]  }
0x30: {  	s3 =	sld [smem:$0x3F97]  }
0x31: {  	[smem:$0x3FA0] =	sst s10  }
0x32: {  	s10 =	sld [smem:$0x3F9E];
	_ =	sdelay $0x3  }
0x33: {  	p0 =	seq.s32 s10, $0x1;
	s10 =	sld [smem:$0x3FA0];
	_ =	sdelay $0x3  }
0x34: {  	[smem:$0x3FA0] =	sst s10  }
0x35: {  	s10 =	sld [smem:$0x3F9F];
	_ =	sdelay $0x3  }
0x36: {  	p1 =	seq.s32 s10, $0x1;
	s10 =	sld [smem:$0x3FA0];
	_ =	sdelay $0x3  }
0x37: {  	[smem:$0x3FA0] =	sst s10  }
0x38: {  	s10 =	sld [smem:$0x3FA1]  }
0x39: {  	_ = 	snop;
	(pc) =	sbr.ind lr, $3  }
0x3a: {  	_ = 	snop  }
0x3b: {  	_ = 	snop  }
0x3c: {  	p2 =	seq.s32 s10, $0x1;
	s10 =	sld [smem:$0x3FA0]  }
0x3d: {  	_ =	shalt  }
0x3e: {  	_ =	shalt  }
0x3f: {  	_ =	shalt  }
0x40: {  	_ =	shalt  }
0x41: {  	_ =	shalt  }
0x42: {  	_ =	shalt  }
0x43: {  	_ =	shalt  }
0x44: {  	_ =	shalt  }
0x45: {  	_ =	shalt  }
0x46: {  	_ =	shalt  }
0x47: {  	_ =	shalt  }
0x48: {  	_ =	shalt  }
0x49: {  	_ =	shalt  }
0x4a: {  	_ =	shalt  }
0x4b: {  	_ =	shalt  }
0x4c: {  	_ =	shalt  }
0x4d: {  	_ =	shalt  }
0x4e: {  	_ =	shalt  }
0x4f: {  	_ =	shalt  }
0x50: {  	_ =	shalt  }
0x51: {  	_ =	shalt  }
0x52: {  	_ =	shalt  }
0x53: {  	_ =	shalt  }
0x54: {  	_ =	shalt  }
0x55: {  	_ =	shalt  }
0x56: {  	_ =	shalt  }
0x57: {  	_ =	shalt  }
0x58: {  	_ =	shalt  }
0x59: {  	_ =	shalt  }
0x5a: {  	_ =	shalt  }
0x5b: {  	_ =	shalt  }
0x5c: {  	_ =	shalt  }
0x5d: {  	_ =	shalt  }
0x5e: {  	_ =	shalt  }
0x5f: {  	_ =	shalt  }
0x60: {  	_ =	shalt  }
0x61: {  	_ =	shalt  }
0x62: {  	_ =	shalt  }
0x63: {  	_ =	shalt  }
0x64: {  	_ =	shalt  }
0x65: {  	_ =	shalt  }
0x66: {  	_ =	shalt  }
0x67: {  	_ =	shalt  }
0x68: {  	_ =	shalt  }
0x69: {  	_ =	shalt  }
0x6a: {  	_ =	shalt  }
0x6b: {  	_ =	shalt  }
0x6c: {  	_ =	shalt  }
0x6d: {  	_ =	shalt  }
0x6e: {  	_ =	shalt  }
0x6f: {  	_ =	shalt  }
0x70: {  	_ =	shalt  }
0x71: {  	_ =	shalt  }
0x72: {  	_ =	shalt  }
0x73: {  	_ =	shalt  }
0x74: {  	_ =	shalt  }
0x75: {  	_ =	shalt  }
0x76: {  	_ =	shalt  }
0x77: {  	_ =	shalt  }
0x78: {  	_ =	shalt  }
0x79: {  	_ =	shalt  }
0x7a: {  	_ =	shalt  }
0x7b: {  	_ =	shalt  }
0x7c: {  	_ =	shalt  }
0x7d: {  	_ =	shalt  }
0x7e: {  	_ =	shalt  }
0x7f: {  	_ =	shalt  }
0x80: {  	_ =	shalt  }
0x81: {  	_ =	shalt  }
0x82: {  	_ =	shalt  }
0x83: {  	_ =	shalt  }
0x84: {  	_ =	shalt  }
0x85: {  	_ =	shalt  }
0x86: {  	_ =	shalt  }
0x87: {  	_ =	shalt  }
.Lfunc_end0:
.L_simem_size_0:
called_computation_lowered:
.L_overlay_start_0:
0x88: {  	s2 =	sld [smem:$0x3FD9]  }
0x89: {  	s3 =	sld [smem:$0x3FFE];
	_ =	sdelay $0x1  }
0x8a: {  	s1 =	srdreg.scid  }
0x8b: {  	s0 =	sand.u32 $0x1, s1  }
0x8c: {  	s17 =	sshll.u32 s0, $0xA;
	s2 =	sadd.s32 s3, s2  }
0x8d: {  	s2 =	sadd.s32 s2, s17  }
0x8e: {  	[smem:$0x3FAC] =	sst s2  }
0x8f: {  	_ = 	snop  }
0x90: {  	s2 =	sld [smem:$0x3FC9]  }
0x91: {  	s18 =	sld [smem:$0x3FC6];
	(tm) =	ssettm $0x1  }
0x92: {  	s4 =	sld [smem:$0x3FFB];
	_ =	sdelay $0x3  }
0x93: {  	_ =	strace s4  }
0x94: {  	s4 =	sld [smem:$0x3FFC];
	_ =	sdelay $0x3  }
0x95: {  	_ =	strace s4  }
0x96: {  	s4 =	sld [smem:$0x3FFD];
	_ =	sdelay $0x3  }
0x97: {  	_ =	strace s4  }
0x98: {  	_ =	strace $0x8FFFFFFF  }
0x99: {  	s19 =	sld [smem:$0x3FDB];
	_ =	sdelay $0x1  }
0x9a: {  	s5 =	simm.s32 $_scs_section_size  }
0x9b: {  	s6 =	simm.s32 $_size__tile_overlayer_lowered;
	s7 =	simm.s32 $_tile_overlayer_lowered  }
0x9c: {  	s22 =	simm.s32 $0x1BFF;
	s21 =	sshll.u32 s7, $0x1;
	s4 =	sadd.s32 s5, s19  }
0x9d: {  	s8 =	simm.s32 $0x0;
	s20 =	sshll.u32 s6, $0x1;
	s6 =	sadd.s32 s21, s4  }
0x9e: {  	[timem:s8], [sflag:s22] =	dma.local [hbm:s6], s20  }
0x9f: {  	_ =	swait.ge [sflag:s22], s20  }
0xa0: {  	s5 =	ssub.s32 $0x0, s20;
	[sflag:s22] =	ssyncset.done $0x0  }
0xa1: {  	[sflag:s22] =	ssyncadd.s32 s5;
	_ =	sdelay $0x1  }
0xa2: {  	s23 =	simm.s32 $0x1B8B  }
0xa3: {  	_ =	swait.ge [sflag:s23], $0x1  }
0xa4: {  	[sflag:s23] =	ssyncset.done $0x0  }
0xa5: {  	s25 =	simm.s32 $0x1B8E;
	s24 =	sld [smem:$0x3FFE];
	[sflag:s23] =	ssyncadd.s32 $0xFFFFFFFF  }
0xa6: {  	s26 =	simm.s32 $execute0_lowered;
	[smem:$0x3FD2] =	sst s25  }
0xa7: {  	s6 =	sshll.u32 s26, $0x1;
	_ =	strace $0x80000046;
	[dreg:$0x1] =	wrdreg $0xFFFFFFFF  }
0xa8: {  	s28 =	simm.s32 $_size_execute0_lowered;
	s4 =	sadd.s32 s4, s6;
	[dreg:$0x0] =	wrdreg $0x0  }
0xa9: {  	s6 =	sshll.u32 s28, $0x1;
	[dreg:$0x2] =	wrdreg s4  }
0xaa: {  	[dreg:$0x3] =	wrdreg s6  }
0xab: {  	[dreg:$0x4] =	wrdreg $0xC0  }
0xac: {  	_ =	task [dreg:s8], $0x5FFFF  }
0xad: {  	[dreg:$0x1] =	wrdreg $0xFFFFFFFF  }
0xae: {  	[dreg:$0x0] =	wrdreg $0x60  }
0xaf: {  	[dreg:$0x2] =	wrdreg s18  }
0xb0: {  	[dreg:$0x3] =	wrdreg s2  }
0xb1: {  	[dreg:$0x4] =	wrdreg s24  }
0xb2: {  	[dreg:$0x5] =	wrdreg $0x9  }
0xb3: {  	_ =	task.clear_ibuf [dreg:s8], $0x6FFFF;
	_ =	strace $0x90000046  }
0xb4: {  	s29 =	simm.s32 $0x9;
	_ =	strace $0x80000048  }
0xb5: {  	_ =	swait.ge [sflag:s29], $0x1  }
0xb6: {  	[sflag:s29] =	ssyncadd.s32 $0xFFFFFFFF  }
0xb7: {  	_ =	strace $0x90000048  }
0xb8: {  	_ =	sfence  }
0xb9: {  	s30 =	sld [smem:$0x0];
	_ =	sdelay $0x2  }
0xba: {  	s31 =	sshll.u32 s1, $0xD;
	s1 =	sshrl.u32 s1, $0x2  }
0xbb: {  	s3 =	sand.u32 $0x4000, s31;
	s1 =	sadd.s32 s1, s30  }
0xbc: {  	s0 =	sor.u32 s3, s0;
	s1 =	sshll.u32 s1, $0x11  }
0xbd: {  	s0 =	sor.u32 s1, s0  }
0xbe: {  	s0 =	sadd.s32 $0x8F2B, s0  }
0xbf: {  	[sflag:s0] =	ssyncadd.remote.s32 $0x1  }
0xc0: {  	_ =	sfence.sel $0xFFFF  }
0xc1: {  	[dreg:$0x0] =	wrdreg $0xFFFFFFFF;
	(pc) =	sbr.abs _section_cstart, $3  }
0xc2: {  	[dreg:$0x1] =	wrdreg $0xFFFFFFFF  }
0xc3: {  	_ =	task.clear_ibuf [dreg:s8], $0x2FFFF;
	_ =	strace $0x9FFFFFFF  }
0xc4: {  	(tm) =	ssettm $0x7FFFFFFF  }
0xc5: {  	_ =	shalt  }
tec
execute0_lowered:
.L_overlay_start_1:
0x0: {  	(tag) =	ssettag $0x1  }
0x1: {  	s1 =	srdreg.scid  }
0x2: {  	s0 =	stileid.u32;
	s5 =	rddreg [dreg:$0x0];
	s4 =	sand.u32 $0x1, s1  }
0x3: {  	s2 =	rddreg [dreg:$0x1];
	s14 =	sshll.u32 s0, $0x8;
	s3 =	sshll.u32 s4, $0x7  }
0x4: {  	s6 =	rddreg [dreg:$0x2];
	s1 =	sor.u32 s3, s14;
	s3 =	simm.s32 $0x0  }
0x5: {  	s16 =	simm.s32 $0x880;
	s17 =	simm.s32 $0x1080;
	[smem:$0x7FF] =	sst s3  }
0x6: {  	s18 =	simm.s32 $0x1880;
	_ =	strace $0x80000047;
	[dreg:$0x6] =	wrdreg s16  }
0x7: {  	s19 =	simm.s32 $0x2080;
	s20 =	simm.s32 $0x2880;
	[dreg:$0x7] =	wrdreg s17  }
0x8: {  	s21 =	simm.s32 $0x3080;
	s22 =	simm.s32 $0x3880;
	[dreg:$0x8] =	wrdreg s18  }
0x9: {  	s23 =	simm.s32 $0x4080;
	s24 =	simm.s32 $0x4880;
	[dreg:$0x9] =	wrdreg s19  }
0xa: {  	s25 =	simm.s32 $0x5080;
	s26 =	simm.s32 $0x5880;
	[dreg:$0xa] =	wrdreg s20  }
0xb: {  	s9 =	simm.s32 $0x7080;
	s10 =	simm.s32 $0x7880;
	[dreg:$0xb] =	wrdreg s21  }
0xc: {  	s11 =	simm.s32 $0x8080;
	s12 =	simm.s32 $0x8880;
	[dreg:$0xc] =	wrdreg s22  }
0xd: {  	s13 =	simm.s32 $0x9080;
	s28 =	simm.s32 $0x16080;
	[dreg:$0xd] =	wrdreg s23  }
0xe: {  	s29 =	simm.s32 $0x16880;
	s30 =	simm.s32 $0x17080;
	[dreg:$0xe] =	wrdreg s24  }
0xf: {  	s31 =	simm.s32 $0x17880;
	s4 =	ssub.s32 $0x2, s4;
	[dreg:$0xf] =	wrdreg s25  }
0x10: {  	s0 =	sshrl.u32 s4, $0x1;
	s7 =	sshrl.u32 s1, $0x3;
	[dreg:$0x10] =	wrdreg s26  }
0x11: {  	s14 =	simm.s32 $0x9880;
	s8 =	smul.u32 $0x300, s7;
	[dreg:$0x13] =	wrdreg s9  }
0x12: {  	s5 =	sadd.s32 s5, s7;
	s7 =	simm.s32 $0x6080;
	[dreg:$0x14] =	wrdreg s10  }
0x13: {  	s20 =	sor.u32 $0x10, s1;
	s21 =	sor.u32 $0x20, s1;
	[dreg:$0x15] =	wrdreg s11  }
0x14: {  	s22 =	sor.u32 $0x30, s1;
	s23 =	sor.u32 $0x40, s1;
	[dreg:$0x16] =	wrdreg s12  }
0x15: {  	s24 =	sor.u32 $0x50, s1;
	s25 =	sor.u32 $0x60, s1;
	[dreg:$0x17] =	wrdreg s13  }
0x16: {  	s26 =	sor.u32 $0x70, s1;
	[dreg:$0x18] =	wrdreg s14;
	s16 =	simm.s32 $0xA880  }
0x17: {  	s17 =	simm.s32 $0xB080;
	s18 =	simm.s32 $0xB880;
	[dreg:$0x4] =	wrdreg s5  }
0x18: {  	s9 =	simm.s32 $0xC080;
	s19 =	simm.s32 $0xC880;
	[dreg:$0x11] =	wrdreg s7  }
0x19: {  	s10 =	simm.s32 $0xD880;
	s11 =	simm.s32 $0xE080;
	[dreg:$0x1a] =	wrdreg s16  }
0x1a: {  	v10 =	vlaneseq.u32;
	s12 =	simm.s32 $0xE880;
	s13 =	simm.s32 $0xF080;
	[dreg:$0x1b] =	wrdreg s17  }
0x1b: {  	v0 =	vor.u32 s1, v10;
	s14 =	simm.s32 $0xF880;
	s1 =	simm.s32 $0x1;
	[dreg:$0x1c] =	wrdreg s18  }
0x1c: {  	s5 =	sadd.s32 $0x200, s2;
	s7 =	simm.s32 $0x2;
	[dreg:$0x1d] =	wrdreg s9  }
0x1d: {  	[dreg:$0x1e] =	wrdreg s19;
	s16 =	simm.s32 $0x10880;
	s17 =	simm.s32 $0x11080  }
0x1e: {  	s18 =	simm.s32 $0x11880;
	s19 =	simm.s32 $0x12080;
	v1 =	vor.u32 s20, v10;
	s20 =	simm.s32 $0x12880  }
0x1f: {  	v2 =	vor.u32 s21, v10;
	v3 =	vor.u32 s22, v10;
	s21 =	simm.s32 $0x13080;
	s22 =	simm.s32 $0x13880;
	v4 =	vor.u32 s23, v10;
	s23 =	simm.s32 $0x14080  }
0x20: {  	v5 =	vor.u32 s24, v10;
	v6 =	vor.u32 s25, v10;
	s24 =	simm.s32 $0x14880;
	s25 =	simm.s32 $0x15080;
	s6 =	sadd.s32 s8, s6  }
0x21: {  	v7 =	vor.u32 s26, v10;
	s26 =	simm.s32 $0x15880;
	s8 =	simm.s32 $0x6880;
	s15 =	sadd.s32 $0x2200, s6  }
0x22: {  	s6 =	ssub.s32 s4, s0;
	[dreg:$0x12] =	wrdreg s8;
	s4 =	sadd.s32 $0x100, s2  }
0x23: {  	vm0 =	vmmov $0xffff;
	v9 =	vshrl.u32 v10, $0x3;
	s8 =	simm.s32 $0x80;
	[dreg:$0x5] =	wrdreg s15;
	s15 =	simm.s32 $0xA080  }
0x24: {  	v8 =	vand.u32 $0x7, v10;
	v9 =	vmul.u32 $0x8, v9;
	v10 =	vor.u32 $0x8, v10;
	s6 =	smax.u32 s6, $0x1;
	[dreg:$0x19] =	wrdreg s15;
	s15 =	simm.s32 $0x10080  }
.LBB2_1:
0x25: {  	s0 =	rddreg [dreg:$0x4]  }
0x26: {  	[tilespmem:s3], [sflag:$0x2] =	stream.linear.gather [hbm4b:s0+s3], $0x80, $0x38;
	[tilespmem:$0x18080] =	vst v63  }
0x27: {  	_ =	swait.ge [sflag:s7], $0x80  }
0x28: {  	[sflag:s7] =	ssyncset.done $0x0  }
0x29: {  	[sflag:s7] =	ssyncadd.s32 $0xFFFFFF80  }
0x2a: {  	v11 =	vld [tilespmem:$0x0];
	_ =	sdelay $0x3  }
0x2b: {  	v12 =	vld [tilespmem:$0x10]  }
0x2c: {  	v13 =	vld [tilespmem:$0x20];
	v11 =	vshll.u32 v11, $0xC  }
0x2d: {  	v14 =	vld [tilespmem:$0x30];
	v11 =	vor.u32 v0, v11  }
0x2e: {  	v15 =	vld [tilespmem:$0x40];
	v16 =	vshrl.u32 v11, $0x3  }
0x2f: {  	v17 =	vld [tilespmem:$0x50];
	v16 =	vmul.u32 $0x30, v16  }
0x30: {  	v18 =	vld [tilespmem:$0x60];
	v12 =	vshll.u32 v12, $0xC  }
0x31: {  	v50 =	vld [tilespmem:$0x70];
	v49 =	vshll.u32 v13, $0xC;
	[tilespmem:$0x0] =	vst v11;
	v11 =	vor.u32 v1, v12;
	v16 =	vor.u32 v8, v16  }
0x32: {  	v51 =	vshll.u32 v14, $0xC;
	[tilespmem:$0x10] =	vst v11;
	v11 =	vor.u32 v2, v49;
	v52 =	vperm.xlane v16, v8  }
0x33: {  	v53 =	vshll.u32 v15, $0xC;
	[tilespmem:$0x20] =	vst v11;
	v11 =	vor.u32 v3, v51  }
0x34: {  	v54 =	vshll.u32 v17, $0xC;
	[tilespmem:$0x30] =	vst v11;
	v11 =	vor.u32 v4, v53;
	v14 =	vadd.s32 v9, v52  }
0x35: {  	v55 =	vshll.u32 v18, $0xC;
	[tilespmem:$0x40] =	vst v11;
	v11 =	vor.u32 v5, v54  }
0x36: {  	v56 =	vshll.u32 v50, $0xC;
	[tilespmem:$0x50] =	vst v11;
	v11 =	vor.u32 v6, v55  }
0x37: {  	[tilespmem:$0x60] =	vst v11;
	v11 =	vor.u32 v7, v56  }
0x38: {  	[tilespmem:$0x70] =	vst v11;
	v11 =	vperm.xlane v16, v10  }
0x39: {  	[tilespmem:s8], [sflag:$0x1] =	stream.indirect_vreg.gather [hbm4b:s2+s3], $0x80, v14, vm0, $0xb8;
	[tilespmem:$0x18080] =	vst v63  }
0x3a: {  	s0 =	rddreg [dreg:$0x6];
	v11 =	vadd.s32 v9, v11  }
0x3b: {  	[tilespmem:s0], [sflag:$0x1] =	stream.indirect_vreg.gather [hbm4b:s4+s3], $0x80, v14, vm0, $0xb8;
	[tilespmem:$0x18080] =	vst v63  }
0x3c: {  	s9 =	rddreg [dreg:$0x7]  }
0x3d: {  	[tilespmem:s9], [sflag:$0x1] =	stream.indirect_vreg.gather [hbm4b:s5+s3], $0x80, v14, vm0, $0xb8;
	[tilespmem:$0x18080] =	vst v63  }
0x3e: {  	s0 =	rddreg [dreg:$0x8]  }
0x3f: {  	[tilespmem:s0], [sflag:$0x1] =	stream.indirect_vreg.gather [hbm4b:s2+s3], $0x80, v11, vm0, $0xb8;
	[tilespmem:$0x18080] =	vst v63  }
0x40: {  	s9 =	rddreg [dreg:$0x9]  }
0x41: {  	[tilespmem:s9], [sflag:$0x1] =	stream.indirect_vreg.gather [hbm4b:s4+s3], $0x80, v11, vm0, $0xb8;
	[tilespmem:$0x18080] =	vst v63  }
0x42: {  	s0 =	rddreg [dreg:$0xa]  }
0x43: {  	[tilespmem:s0], [sflag:$0x1] =	stream.indirect_vreg.gather [hbm4b:s5+s3], $0x80, v11, vm0, $0xb8;
	[tilespmem:$0x18080] =	vst v63  }
0x44: {  	v11 =	vld [tilespmem:$0x10];
	_ =	sdelay $0x4  }
0x45: {  	v57 =	vshrl.u32 v11, $0x3  }
0x46: {  	v12 =	vmul.u32 $0x30, v57  }
0x47: {  	v11 =	vand.u32 $0x7, v11  }
0x48: {  	v11 =	vor.u32 v11, v12  }
0x49: {  	v12 =	vperm.xlane v11, v8;
	_ =	sdelay $0x1  }
0x4a: {  	v12 =	vadd.s32 v9, v12;
	_ =	sdelay $0x3  }
0x4b: {  	s0 =	rddreg [dreg:$0xb];
	v11 =	vperm.xlane v11, v10  }
0x4c: {  	[tilespmem:s0], [sflag:$0x1] =	stream.indirect_vreg.gather [hbm4b:s2+s3], $0x80, v12, vm0, $0xb8;
	[tilespmem:$0x18080] =	vst v63  }
0x4d: {  	s9 =	rddreg [dreg:$0xc];
	v11 =	vadd.s32 v9, v11  }
0x4e: {  	[tilespmem:s9], [sflag:$0x1] =	stream.indirect_vreg.gather [hbm4b:s4+s3], $0x80, v12, vm0, $0xb8;
	[tilespmem:$0x18080] =	vst v63  }
0x4f: {  	s0 =	rddreg [dreg:$0xd]  }
0x50: {  	[tilespmem:s0], [sflag:$0x1] =	stream.indirect_vreg.gather [hbm4b:s5+s3], $0x80, v12, vm0, $0xb8;
	[tilespmem:$0x18080] =	vst v63  }
0x51: {  	s9 =	rddreg [dreg:$0xe]  }
0x52: {  	[tilespmem:s9], [sflag:$0x1] =	stream.indirect_vreg.gather [hbm4b:s2+s3], $0x80, v11, vm0, $0xb8;
	[tilespmem:$0x18080] =	vst v63  }
0x53: {  	s0 =	rddreg [dreg:$0xf]  }
0x54: {  	[tilespmem:s0], [sflag:$0x1] =	stream.indirect_vreg.gather [hbm4b:s4+s3], $0x80, v11, vm0, $0xb8;
	[tilespmem:$0x18080] =	vst v63  }
0x55: {  	s9 =	rddreg [dreg:$0x10]  }
0x56: {  	[tilespmem:s9], [sflag:$0x1] =	stream.indirect_vreg.gather [hbm4b:s5+s3], $0x80, v11, vm0, $0xb8;
	[tilespmem:$0x18080] =	vst v63  }
0x57: {  	v11 =	vld [tilespmem:$0x20];
	_ =	sdelay $0x4  }
0x58: {  	v58 =	vshrl.u32 v11, $0x3  }
0x59: {  	v12 =	vmul.u32 $0x30, v58  }
0x5a: {  	v11 =	vand.u32 $0x7, v11  }
0x5b: {  	v11 =	vor.u32 v11, v12  }
0x5c: {  	v12 =	vperm.xlane v11, v8;
	_ =	sdelay $0x1  }
0x5d: {  	v12 =	vadd.s32 v9, v12;
	_ =	sdelay $0x3  }
0x5e: {  	s0 =	rddreg [dreg:$0x11];
	v11 =	vperm.xlane v11, v10  }
0x5f: {  	[tilespmem:s0], [sflag:$0x1] =	stream.indirect_vreg.gather [hbm4b:s2+s3], $0x80, v12, vm0, $0xb8;
	[tilespmem:$0x18080] =	vst v63  }
0x60: {  	s9 =	rddreg [dreg:$0x12];
	v11 =	vadd.s32 v9, v11  }
0x61: {  	[tilespmem:s9], [sflag:$0x1] =	stream.indirect_vreg.gather [hbm4b:s4+s3], $0x80, v12, vm0, $0xb8;
	[tilespmem:$0x18080] =	vst v63  }
0x62: {  	s0 =	rddreg [dreg:$0x13]  }
0x63: {  	[tilespmem:s0], [sflag:$0x1] =	stream.indirect_vreg.gather [hbm4b:s5+s3], $0x80, v12, vm0, $0xb8;
	[tilespmem:$0x18080] =	vst v63  }
0x64: {  	s9 =	rddreg [dreg:$0x14]  }
0x65: {  	[tilespmem:s9], [sflag:$0x1] =	stream.indirect_vreg.gather [hbm4b:s2+s3], $0x80, v11, vm0, $0xb8;
	[tilespmem:$0x18080] =	vst v63  }
0x66: {  	s0 =	rddreg [dreg:$0x15]  }
0x67: {  	[tilespmem:s0], [sflag:$0x1] =	stream.indirect_vreg.gather [hbm4b:s4+s3], $0x80, v11, vm0, $0xb8;
	[tilespmem:$0x18080] =	vst v63  }
0x68: {  	s9 =	rddreg [dreg:$0x16]  }
0x69: {  	[tilespmem:s9], [sflag:$0x1] =	stream.indirect_vreg.gather [hbm4b:s5+s3], $0x80, v11, vm0, $0xb8;
	[tilespmem:$0x18080] =	vst v63  }
0x6a: {  	v11 =	vld [tilespmem:$0x30];
	_ =	sdelay $0x4  }
0x6b: {  	v59 =	vshrl.u32 v11, $0x3  }
0x6c: {  	v12 =	vmul.u32 $0x30, v59  }
0x6d: {  	v11 =	vand.u32 $0x7, v11  }
0x6e: {  	v11 =	vor.u32 v11, v12  }
0x6f: {  	v12 =	vperm.xlane v11, v8;
	_ =	sdelay $0x1  }
0x70: {  	v12 =	vadd.s32 v9, v12;
	_ =	sdelay $0x3  }
0x71: {  	s0 =	rddreg [dreg:$0x17];
	v11 =	vperm.xlane v11, v10  }
0x72: {  	[tilespmem:s0], [sflag:$0x1] =	stream.indirect_vreg.gather [hbm4b:s2+s3], $0x80, v12, vm0, $0xb8;
	[tilespmem:$0x18080] =	vst v63  }
0x73: {  	s9 =	rddreg [dreg:$0x18];
	v11 =	vadd.s32 v9, v11  }
0x74: {  	[tilespmem:s9], [sflag:$0x1] =	stream.indirect_vreg.gather [hbm4b:s4+s3], $0x80, v12, vm0, $0xb8;
	[tilespmem:$0x18080] =	vst v63  }
0x75: {  	s0 =	rddreg [dreg:$0x19]  }
0x76: {  	[tilespmem:s0], [sflag:$0x1] =	stream.indirect_vreg.gather [hbm4b:s5+s3], $0x80, v12, vm0, $0xb8;
	[tilespmem:$0x18080] =	vst v63  }
0x77: {  	s9 =	rddreg [dreg:$0x1a]  }
0x78: {  	[tilespmem:s9], [sflag:$0x1] =	stream.indirect_vreg.gather [hbm4b:s2+s3], $0x80, v11, vm0, $0xb8;
	[tilespmem:$0x18080] =	vst v63  }
0x79: {  	s0 =	rddreg [dreg:$0x1b]  }
0x7a: {  	[tilespmem:s0], [sflag:$0x1] =	stream.indirect_vreg.gather [hbm4b:s4+s3], $0x80, v11, vm0, $0xb8;
	[tilespmem:$0x18080] =	vst v63  }
0x7b: {  	s9 =	rddreg [dreg:$0x1c]  }
0x7c: {  	[tilespmem:s9], [sflag:$0x1] =	stream.indirect_vreg.gather [hbm4b:s5+s3], $0x80, v11, vm0, $0xb8;
	[tilespmem:$0x18080] =	vst v63  }
0x7d: {  	v11 =	vld [tilespmem:$0x40];
	_ =	sdelay $0x4  }
0x7e: {  	v60 =	vshrl.u32 v11, $0x3  }
0x7f: {  	v12 =	vmul.u32 $0x30, v60  }
0x80: {  	v11 =	vand.u32 $0x7, v11  }
0x81: {  	v11 =	vor.u32 v11, v12  }
0x82: {  	v12 =	vperm.xlane v11, v8;
	_ =	sdelay $0x1  }
0x83: {  	v12 =	vadd.s32 v9, v12;
	_ =	sdelay $0x3  }
0x84: {  	s0 =	rddreg [dreg:$0x1d];
	v11 =	vperm.xlane v11, v10  }
0x85: {  	[tilespmem:s0], [sflag:$0x1] =	stream.indirect_vreg.gather [hbm4b:s2+s3], $0x80, v12, vm0, $0xb8;
	[tilespmem:$0x18080] =	vst v63  }
0x86: {  	s9 =	rddreg [dreg:$0x1e];
	v11 =	vadd.s32 v9, v11  }
0x87: {  	[tilespmem:s9], [sflag:$0x1] =	stream.indirect_vreg.gather [hbm4b:s4+s3], $0x80, v12, vm0, $0xb8;
	[tilespmem:$0x18080] =	vst v63  }
0x88: {  	s9 =	simm.s32 $0xD080  }
0x89: {  	[tilespmem:s9], [sflag:$0x1] =	stream.indirect_vreg.gather [hbm4b:s5+s3], $0x80, v12, vm0, $0xb8;
	[tilespmem:$0x18080] =	vst v63  }
0x8a: {  	_ = 	snop  }
0x8b: {  	[tilespmem:s10], [sflag:$0x1] =	stream.indirect_vreg.gather [hbm4b:s2+s3], $0x80, v11, vm0, $0xb8;
	[tilespmem:$0x18080] =	vst v63  }
0x8c: {  	_ = 	snop  }
0x8d: {  	[tilespmem:s11], [sflag:$0x1] =	stream.indirect_vreg.gather [hbm4b:s4+s3], $0x80, v11, vm0, $0xb8;
	[tilespmem:$0x18080] =	vst v63  }
0x8e: {  	_ = 	snop  }
0x8f: {  	[tilespmem:s12], [sflag:$0x1] =	stream.indirect_vreg.gather [hbm4b:s5+s3], $0x80, v11, vm0, $0xb8;
	[tilespmem:$0x18080] =	vst v63  }
0x90: {  	v11 =	vld [tilespmem:$0x50];
	_ =	sdelay $0x4  }
0x91: {  	v61 =	vshrl.u32 v11, $0x3  }
0x92: {  	v12 =	vmul.u32 $0x30, v61  }
0x93: {  	v11 =	vand.u32 $0x7, v11  }
0x94: {  	v11 =	vor.u32 v11, v12  }
0x95: {  	v12 =	vperm.xlane v11, v8;
	_ =	sdelay $0x1  }
0x96: {  	v12 =	vadd.s32 v9, v12;
	_ =	sdelay $0x3  }
0x97: {  	v11 =	vperm.xlane v11, v10  }
0x98: {  	[tilespmem:s13], [sflag:$0x1] =	stream.indirect_vreg.gather [hbm4b:s2+s3], $0x80, v12, vm0, $0xb8;
	[tilespmem:$0x18080] =	vst v63  }
0x99: {  	v11 =	vadd.s32 v9, v11  }
0x9a: {  	[tilespmem:s14], [sflag:$0x1] =	stream.indirect_vreg.gather [hbm4b:s4+s3], $0x80, v12, vm0, $0xb8;
	[tilespmem:$0x18080] =	vst v63  }
0x9b: {  	_ = 	snop  }
0x9c: {  	[tilespmem:s15], [sflag:$0x1] =	stream.indirect_vreg.gather [hbm4b:s5+s3], $0x80, v12, vm0, $0xb8;
	[tilespmem:$0x18080] =	vst v63  }
0x9d: {  	_ = 	snop  }
0x9e: {  	[tilespmem:s16], [sflag:$0x1] =	stream.indirect_vreg.gather [hbm4b:s2+s3], $0x80, v11, vm0, $0xb8;
	[tilespmem:$0x18080] =	vst v63  }
0x9f: {  	_ = 	snop  }
0xa0: {  	[tilespmem:s17], [sflag:$0x1] =	stream.indirect_vreg.gather [hbm4b:s4+s3], $0x80, v11, vm0, $0xb8;
	[tilespmem:$0x18080] =	vst v63  }
0xa1: {  	_ = 	snop  }
0xa2: {  	[tilespmem:s18], [sflag:$0x1] =	stream.indirect_vreg.gather [hbm4b:s5+s3], $0x80, v11, vm0, $0xb8;
	[tilespmem:$0x18080] =	vst v63  }
0xa3: {  	v11 =	vld [tilespmem:$0x60];
	_ =	sdelay $0x4  }
0xa4: {  	v62 =	vshrl.u32 v11, $0x3  }
0xa5: {  	v12 =	vmul.u32 $0x30, v62  }
0xa6: {  	v11 =	vand.u32 $0x7, v11  }
0xa7: {  	v11 =	vor.u32 v11, v12  }
0xa8: {  	v12 =	vperm.xlane v11, v8;
	_ =	sdelay $0x1  }
0xa9: {  	v12 =	vadd.s32 v9, v12;
	_ =	sdelay $0x3  }
0xaa: {  	v11 =	vperm.xlane v11, v10  }
0xab: {  	[tilespmem:s19], [sflag:$0x1] =	stream.indirect_vreg.gather [hbm4b:s2+s3], $0x80, v12, vm0, $0xb8;
	[tilespmem:$0x18080] =	vst v63  }
0xac: {  	v11 =	vadd.s32 v9, v11  }
0xad: {  	[tilespmem:s20], [sflag:$0x1] =	stream.indirect_vreg.gather [hbm4b:s4+s3], $0x80, v12, vm0, $0xb8;
	[tilespmem:$0x18080] =	vst v63  }
0xae: {  	_ = 	snop  }
0xaf: {  	[tilespmem:s21], [sflag:$0x1] =	stream.indirect_vreg.gather [hbm4b:s5+s3], $0x80, v12, vm0, $0xb8;
	[tilespmem:$0x18080] =	vst v63  }
0xb0: {  	_ = 	snop  }
0xb1: {  	[tilespmem:s22], [sflag:$0x1] =	stream.indirect_vreg.gather [hbm4b:s2+s3], $0x80, v11, vm0, $0xb8;
	[tilespmem:$0x18080] =	vst v63  }
0xb2: {  	_ = 	snop  }
0xb3: {  	[tilespmem:s23], [sflag:$0x1] =	stream.indirect_vreg.gather [hbm4b:s4+s3], $0x80, v11, vm0, $0xb8;
	[tilespmem:$0x18080] =	vst v63  }
0xb4: {  	_ = 	snop  }
0xb5: {  	[tilespmem:s24], [sflag:$0x1] =	stream.indirect_vreg.gather [hbm4b:s5+s3], $0x80, v11, vm0, $0xb8;
	[tilespmem:$0x18080] =	vst v63  }
0xb6: {  	v11 =	vld [tilespmem:$0x70];
	_ =	sdelay $0x4  }
0xb7: {  	v63 =	vshrl.u32 v11, $0x3  }
0xb8: {  	v12 =	vmul.u32 $0x30, v63  }
0xb9: {  	v11 =	vand.u32 $0x7, v11  }
0xba: {  	v11 =	vor.u32 v11, v12  }
0xbb: {  	v12 =	vperm.xlane v11, v8;
	_ =	sdelay $0x1  }
0xbc: {  	v12 =	vadd.s32 v9, v12;
	_ =	sdelay $0x3  }
0xbd: {  	v11 =	vperm.xlane v11, v10  }
0xbe: {  	[tilespmem:s25], [sflag:$0x1] =	stream.indirect_vreg.gather [hbm4b:s2+s3], $0x80, v12, vm0, $0xb8;
	[tilespmem:$0x18080] =	vst v63  }
0xbf: {  	v11 =	vadd.s32 v9, v11  }
0xc0: {  	[tilespmem:s26], [sflag:$0x1] =	stream.indirect_vreg.gather [hbm4b:s4+s3], $0x80, v12, vm0, $0xb8;
	[tilespmem:$0x18080] =	vst v63  }
0xc1: {  	_ = 	snop  }
0xc2: {  	[tilespmem:s28], [sflag:$0x1] =	stream.indirect_vreg.gather [hbm4b:s5+s3], $0x80, v12, vm0, $0xb8;
	[tilespmem:$0x18080] =	vst v63  }
0xc3: {  	_ = 	snop  }
0xc4: {  	[tilespmem:s29], [sflag:$0x1] =	stream.indirect_vreg.gather [hbm4b:s2+s3], $0x80, v11, vm0, $0xb8;
	[tilespmem:$0x18080] =	vst v63  }
0xc5: {  	_ = 	snop  }
0xc6: {  	[tilespmem:s30], [sflag:$0x1] =	stream.indirect_vreg.gather [hbm4b:s4+s3], $0x80, v11, vm0, $0xb8;
	[tilespmem:$0x18080] =	vst v63  }
0xc7: {  	_ = 	snop  }
0xc8: {  	[tilespmem:s31], [sflag:$0x1] =	stream.indirect_vreg.gather [hbm4b:s5+s3], $0x80, v11, vm0, $0xb8;
	[tilespmem:$0x18080] =	vst v63  }
0xc9: {  	_ =	swait.ge [sflag:s1], $0x18000  }
0xca: {  	p0 =	sne.s32 s6, $0x1;
	[sflag:s1] =	ssyncset.done $0x0  }
.Ltmp0:
0xcb: {  	s9 =	rddreg [dreg:$0x5];
	[sflag:s1] =	ssyncadd.s32 $0xFFFE8000;
	(pc) =	sbr.rel @p0 .LBB2_1-.Ltmp0, $4  }
0xcc: {  	[hbm4b:s9+s3] =	stream.linear.scatter [tilespmem:s8], [sflag:$0x2], $0x18000, $0x38;
	[tilespmem:$0x18080] =	vst v63  }
0xcd: {  	_ =	swait.ge [sflag:s7], $0x18000  }
0xce: {  	[sflag:s7] =	ssyncset.done $0x0  }
0xcf: {  	s6 =	sadd.s32 $0xFFFFFFFF, s6;
	[sflag:s7] =	ssyncadd.s32 $0xFFFE8000  }
0xd0: {  	_ =	sfence.sel $0x180000  }
0xd1: {  	[bflag:$0x0] =	sbarrier.arrive $0xFFFF  }
0xd2: {  	_ =	strace $0x90000047  }
0xd3: {  	s0 =	stileid.u32;
	[bflag:$0x2] =	sbarrier.arrive $0xFFFF  }
0xd4: {  	p0 =	sne.s32 s0, $0x0;
	s0 =	rddreg [dreg:$0x3]  }
0xd5: {  	s0 =	sadd.s32 @!p0 $0x100000, s0  }
0xd6: {  	[sflag:s0] =	ssyncadd.tile.s32 @!p0 $0x1;
	_ =	shalt  }
.Lfunc_end2:
_tile_overlayer_lowered:
.L_overlay_start_2:
0xd7: {  	(tag) =	ssettag $0x2  }
0xd8: {  	s0 =	rddreg [dreg:$0x0];
	s2 =	stileid.u32  }
0xd9: {  	s1 =	rddreg [dreg:$0x1];
	p0 =	sne.s32 s2, $0x0  }
0xda: {  	s3 =	rddreg [dreg:$0x2];
	[bflag:$0x3] =	sbarrier.arrive $0xFFFF;
	s2 =	simm.s32 @!p0 $0x1C02  }
0xdb: {  	[timem:s3], [sflag:s2] =	dma.local @!p0 [hbm:s0], s1  }
0xdc: {  	s0 =	simm.s32 @!p0 $0x2  }
0xdd: {  	_ =	swait.ge @!p0 [sflag:s0], s1  }
0xde: {  	s1 =	ssub.s32 @!p0 $0x0, s1;
	[sflag:s0] =	ssyncset.done @!p0 $0x0  }
0xdf: {  	[sflag:s0] =	ssyncadd.s32 @!p0 s1  }
0xe0: {  	[bflag:$0x3] =	sbarrier.arrive $0xFFFF  }
0xe1: {  	_ =	shalt  }

</sc_bundles>
